<compile_context>
chip_gen: v7x
topology: tpu7x:2x2x1
jax: 0.10.2.dev20260603
libtpu: 0.0.44.dev20260713+nightly
codegen_flags: <defaults>
</compile_context>

<pallas_src>
import functools

import jax
import jax.numpy as jnp
from jax import lax
from jax.experimental import pallas as pl
from jax.experimental.pallas import tpu as pltpu
from jax.experimental.pallas import tpu_sc as plsc


def kernel(indices, logits, feats):
    B = indices.shape[0]
    NR, DL = logits.shape
    DF = feats.shape[1]

    info = plsc.get_sparse_core_info()
    NC, NS = info.num_cores, info.num_subcores
    NW = NC * NS
    b_per_w = B // NW
    FCH = 16
    n_fch = b_per_w // FCH
    OC = 2048
    n_oc = B // OC

    idx32 = indices.astype(jnp.int32)
    lT = logits.T

    mesh = plsc.VectorSubcoreMesh(core_axis_name="c", subcore_axis_name="s")

    @functools.partial(
        pl.kernel,
        mesh=mesh,
        compiler_params=pltpu.CompilerParams(needs_layout_passes=False),
        out_type=(
            jax.ShapeDtypeStruct((DL, B), jnp.float32),
            jax.ShapeDtypeStruct((B, DF), jnp.float32),
        ),
        scratch_types=[
            pltpu.VMEM((B,), jnp.int32),
            pltpu.VMEM((NR,), jnp.float32),
            pltpu.VMEM((OC,), jnp.float32),
            pltpu.VMEM((OC,), jnp.float32),
            pltpu.VMEM((FCH, DF), jnp.float32),
            pltpu.SemaphoreType.DMA,
            pltpu.SemaphoreType.DMA,
            pltpu.SemaphoreType.DMA,
            pltpu.SemaphoreType.DMA,
            pltpu.SemaphoreType.DMA,
        ],
    )
    def gather_all(idx_hbm, lT_hbm, feats_hbm, oT_hbm, of_hbm,
                   idx_v, row_v, outc0_v, outc1_v, fv,
                   sem, fgsem, fwsem, osem0, osem1):
        wid = lax.axis_index("s") * NC + lax.axis_index("c")
        pltpu.sync_copy(idx_hbm, idx_v)

        fbase = wid * b_per_w
        n_rows = (DL - 1 - wid) // NW + 1
        obufs = (outc0_v, outc1_v)
        osems = (osem0, osem1)

        def rbody(t, c):
            r = wid + NW * t
            rowcp = pltpu.async_copy(lT_hbm.at[r], row_v, sem)

            @pl.when(t > 0)
            def _():
                pltpu.make_async_copy(
                    fv, of_hbm.at[pl.ds(fbase, FCH)], fwsem).wait()

            f0 = fbase + t * FCH
            pltpu.async_copy(feats_hbm.at[idx_v.at[pl.ds(f0, FCH)]], fv, fgsem)

            rowcp.wait()

            def cbody(k2, c2):
                for h in range(2):
                    k = k2 * 2 + h
                    ob, osem = obufs[h], osems[h]

                    @pl.when((t > 0) | (k2 > 0))
                    def _():
                        pltpu.make_async_copy(
                            ob, oT_hbm.at[r, pl.ds(0, OC)], osem).wait()

                    def vbody(v, c3):
                        iis = []
                        for u in range(8):
                            o = pl.multiple_of(k * OC + v * 128 + u * 16, 16)
                            iis.append(idx_v[pl.ds(o, 16)])
                        gs = [plsc.load_gather(row_v, [ii]) for ii in iis]
                        for u in range(8):
                            o = pl.multiple_of(v * 128 + u * 16, 16)
                            ob[pl.ds(o, 16)] = gs[u]
                        return c3

                    lax.fori_loop(0, OC // 128, vbody, 0)
                    pltpu.async_copy(ob, oT_hbm.at[r, pl.ds(k * OC, OC)], osem)
                return c2

            lax.fori_loop(0, n_oc // 2, cbody, 0)

            pltpu.make_async_copy(
                feats_hbm.at[idx_v.at[pl.ds(f0, FCH)]], fv, fgsem).wait()
            pltpu.async_copy(fv, of_hbm.at[pl.ds(f0, FCH)], fwsem)
            return c

        lax.fori_loop(0, n_rows, rbody, 0)

        def ftail(j, c):
            pltpu.make_async_copy(
                fv, of_hbm.at[pl.ds(fbase, FCH)], fwsem).wait()
            f0 = fbase + j * FCH
            pltpu.async_copy(
                feats_hbm.at[idx_v.at[pl.ds(f0, FCH)]], fv, fgsem).wait()
            pltpu.async_copy(fv, of_hbm.at[pl.ds(f0, FCH)], fwsem)
            return c

        lax.fori_loop(n_rows, n_fch, ftail, 0)
        pltpu.make_async_copy(fv, of_hbm.at[pl.ds(fbase, FCH)], fwsem).wait()
        pltpu.make_async_copy(
            outc0_v, oT_hbm.at[wid, pl.ds(0, OC)], osem0).wait()
        pltpu.make_async_copy(
            outc1_v, oT_hbm.at[wid, pl.ds(0, OC)], osem1).wait()

    oT, out_f = gather_all(idx32, lT, feats)
    return (oT.T, out_f)

# --- scband reference (transcript-rebuilt; emitter-appended) ---
"""Pipeline reference for scband-clipteacher-34093450396513 (READ-ONLY COPY).

The authoritative reference and input builder live on the scoring server;
editing this copy changes nothing except your own understanding.
"""

import jax, jax.numpy as jnp
import numpy as np

N_ROWS = 100000
N_CLASSES = 1000
FEAT_DIM = 512
BATCH = 16384


def setup_inputs(seed: int = 0) -> dict:
    key = jax.random.key(seed)
    k1, k2, k3 = jax.random.split(key, 3)
    indices = jax.random.randint(k1, (BATCH,), 0, N_ROWS, dtype=jnp.int64 if jax.config.jax_enable_x64 else jnp.int32)
    logits = jax.random.normal(k2, (N_ROWS, N_CLASSES), dtype=jnp.float32)
    feats = jax.random.normal(k3, (N_ROWS, FEAT_DIM), dtype=jnp.float32)
    return {"indices": indices, "logits": logits, "feats": feats}


def reference(indices, logits, feats):
    # Faithful translation of CLIPTeacher.forward: two row-gathers from cached buffers.
    out_logits = jnp.take(logits, indices, axis=0)
    out_feats = jnp.take(feats, indices, axis=0)
    return (out_logits, out_feats)

if __name__ == "__main__":
    import jax
    _d = setup_inputs()
    print(jax.jit(kernel)(*tuple(_d.values())))

</pallas_src>

<mosaic_0001>
#map = affine_map<(d0, d1) -> (0)>
#map1 = affine_map<(d0, d1) -> (0, 0)>
module attributes {stable_mosaic.version = 14 : i64} {
  func.func @gather_all(%arg0: i32, %arg1: i32, %arg2: memref<16384xi32, #tpu.memory_space<hbm>>, %arg3: memref<1000x100000xf32, #tpu.memory_space<hbm>>, %arg4: memref<100000x512xf32, #tpu.memory_space<hbm>>, %arg5: memref<1000x16384xf32, #tpu.memory_space<hbm>>, %arg6: memref<16384x512xf32, #tpu.memory_space<hbm>>, %arg7: memref<16384xi32, #tpu.memory_space<vmem>>, %arg8: memref<100000xf32, #tpu.memory_space<vmem>>, %arg9: memref<2048xf32, #tpu.memory_space<vmem>>, %arg10: memref<2048xf32, #tpu.memory_space<vmem>>, %arg11: memref<16x512xf32, #tpu.memory_space<vmem>>, %arg12: memref<!tpu.dma_semaphore, #tpu.memory_space<semaphore_mem>>, %arg13: memref<!tpu.dma_semaphore, #tpu.memory_space<semaphore_mem>>, %arg14: memref<!tpu.dma_semaphore, #tpu.memory_space<semaphore_mem>>, %arg15: memref<!tpu.dma_semaphore, #tpu.memory_space<semaphore_mem>>, %arg16: memref<!tpu.dma_semaphore, #tpu.memory_space<semaphore_mem>>) attributes {dimension_semantics = [#tpu.dimension_semantics<core_parallel>, #tpu.dimension_semantics<subcore_parallel>], iteration_bounds = array<i64: 2, 16>, scalar_prefetch = 0 : i64, scratch_operands = 10 : i64, tpu.core_type = #tpu.core_type<sc_vector_subcore>, window_params = [{transform_indices = #map}, {transform_indices = #map1}, {transform_indices = #map1}, {transform_indices = #map1}, {transform_indices = #map1}]} {
    %mul3A = arith.constant 2 : i32
    %mul3A_0 = arith.muli %arg1, %mul3A : i32
    %add3A = arith.addi %mul3A_0, %arg0 : i32
    "tpu.region"() ({
      %run_scoped3A = tpu.sem_alloc : memref<!tpu.dma_semaphore, #tpu.memory_space<semaphore_mem>>
      tpu.enqueue_dma source(%arg2 : memref<16384xi32, #tpu.memory_space<hbm>>) target(%arg7 : memref<16384xi32, #tpu.memory_space<vmem>>) target_semaphore(%run_scoped3A : memref<!tpu.dma_semaphore, #tpu.memory_space<semaphore_mem>>)
      tpu.wait_dma2 semaphore(%run_scoped3A : memref<!tpu.dma_semaphore, #tpu.memory_space<semaphore_mem>>) src(%arg2 : memref<16384xi32, #tpu.memory_space<hbm>>) dst(%arg7 : memref<16384xi32, #tpu.memory_space<vmem>>)
      tpu.yield
    }) : () -> ()
    %mul3A_1 = arith.constant 512 : i32
    %mul3A_2 = arith.muli %add3A, %mul3A_1 : i32
    %sub3A = arith.constant 999 : i32
    %sub3A_3 = arith.subi %sub3A, %add3A : i32
    %jit3A = arith.constant 32 : i32
    %div3A = arith.divsi %sub3A_3, %jit3A : i32
    %sign3A = arith.constant 0 : i32
    %sign3A_4 = arith.cmpi sgt, %sub3A_3, %sign3A : i32
    %sign3A_5 = arith.extui %sign3A_4 : i1 to i32
    %sign3A_6 = arith.constant 0 : i32
    %sign3A_7 = arith.cmpi slt, %sub3A_3, %sign3A_6 : i32
    %sign3A_8 = arith.extui %sign3A_7 : i1 to i32
    %sign3A_9 = arith.subi %sign3A_5, %sign3A_8 : i32
    %sign3A_10 = arith.constant 0 : i32
    %sign3A_11 = arith.cmpi sgt, %jit3A, %sign3A_10 : i32
    %sign3A_12 = arith.extui %sign3A_11 : i1 to i32
    %sign3A_13 = arith.constant 0 : i32
    %sign3A_14 = arith.cmpi slt, %jit3A, %sign3A_13 : i32
    %sign3A_15 = arith.extui %sign3A_14 : i1 to i32
    %sign3A_16 = arith.subi %sign3A_12, %sign3A_15 : i32
    %ne3A = arith.cmpi ne, %sign3A_9, %sign3A_16 : i32
    %rem3A = arith.remsi %sub3A_3, %jit3A : i32
    %ne3A_17 = arith.constant 0 : i32
    %ne3A_18 = arith.cmpi ne, %rem3A, %ne3A_17 : i32
    %and3A = arith.andi %ne3A, %ne3A_18 : i1
    %sub3A_19 = arith.constant 1 : i32
    %sub3A_20 = arith.subi %div3A, %sub3A_19 : i32
    %select_n3A = arith.select %and3A, %sub3A_20, %div3A : i32
    %add3A_21 = arith.constant 1 : i32
    %add3A_22 = arith.addi %select_n3A, %add3A_21 : i32
    %while3A = arith.constant 0 : i32
    %while3A_23 = arith.constant 0 : i32
    %while3A_24 = arith.subi %add3A_22, %while3A_23 : i32
    %while3A_25 = arith.addi %while3A_23, %while3A_24 : i32
    %while3A_26 = arith.constant 1 : i32
    %while3A_27 = arith.divsi %while3A_24, %while3A_26 : i32
    %while3A_28 = arith.muli %while3A_27, %while3A_26 : i32
    %while3A_29 = arith.addi %while3A_23, %while3A_28 : i32
    %while3A_30 = arith.constant 1 : i32
    scf.for %while3A_57 = %while3A_23 to %while3A_29 step %while3A_30  : i32 {
      %mul3A_58 = arith.constant 32 : i32
      %mul3A_59 = arith.muli %mul3A_58, %while3A_57 : i32
      %add3A_60 = arith.addi %add3A, %mul3A_59 : i32
      %dma_start3A = arith.constant 0 : i32
      %dma_start3A_61 = tpu.memref_slice %arg3[%add3A_60, %dma_start3A] : memref<1000x100000xf32, #tpu.memory_space<hbm>> -> memref<1x100000xf32, #tpu.memory_space<hbm>>
      %dma_start3A_62 = tpu.memref_squeeze %dma_start3A_61 : memref<1x100000xf32, #tpu.memory_space<hbm>> -> memref<100000xf32, #tpu.memory_space<hbm>>
      %dma_start3A_63 = arith.constant 0 : i32
      %dma_start3A_64 = tpu.memref_slice %arg3[%add3A_60, %dma_start3A_63] : memref<1000x100000xf32, #tpu.memory_space<hbm>> -> memref<1x100000xf32, #tpu.memory_space<hbm>>
      %dma_start3A_65 = tpu.memref_squeeze %dma_start3A_64 : memref<1x100000xf32, #tpu.memory_space<hbm>> -> memref<100000xf32, #tpu.memory_space<hbm>>
      tpu.enqueue_dma source(%dma_start3A_65 : memref<100000xf32, #tpu.memory_space<hbm>>) target(%arg8 : memref<100000xf32, #tpu.memory_space<vmem>>) target_semaphore(%arg12 : memref<!tpu.dma_semaphore, #tpu.memory_space<semaphore_mem>>)
      %gt3A = arith.constant 0 : i32
      %gt3A_66 = arith.cmpi sgt, %while3A_57, %gt3A : i32
      %convert_element_type3A = arith.extui %gt3A_66 : i1 to i32
      %cond3A = arith.constant 0 : i32
      %cond3A_67 = arith.cmpi ne, %convert_element_type3A, %cond3A : i32
      scf.if %cond3A_67 {
        %dma_wait3A_94 = arith.constant 0 : i32
        %dma_wait3A_95 = tpu.memref_slice %arg6[%mul3A_2, %dma_wait3A_94] : memref<16384x512xf32, #tpu.memory_space<hbm>> -> memref<16x512xf32, #tpu.memory_space<hbm>>
        %dma_wait3A_96 = arith.constant 0 : i32
        %dma_wait3A_97 = tpu.memref_slice %arg6[%mul3A_2, %dma_wait3A_96] : memref<16384x512xf32, #tpu.memory_space<hbm>> -> memref<16x512xf32, #tpu.memory_space<hbm>>
        tpu.wait_dma2 semaphore(%arg14 : memref<!tpu.dma_semaphore, #tpu.memory_space<semaphore_mem>>) src(%arg11 : memref<16x512xf32, #tpu.memory_space<vmem>>) dst(%dma_wait3A_97 : memref<16x512xf32, #tpu.memory_space<hbm>>)
      } else {
      }
      %mul3A_68 = arith.constant 16 : i32
      %mul3A_69 = arith.muli %while3A_57, %mul3A_68 : i32
      %add3A_70 = arith.addi %mul3A_2, %mul3A_69 : i32
      %dma_start3A_71 = tpu.memref_slice %arg7[%add3A_70] : memref<16384xi32, #tpu.memory_space<vmem>> -> memref<16xi32, #tpu.memory_space<vmem>>
      %dma_start3A_72 = arith.constant 0 : i32
      %dma_start3A_73 = arith.constant 0 : i32
      %dma_start3A_74 = tpu.memref_slice %arg4[%dma_start3A_72, %dma_start3A_73] : memref<100000x512xf32, #tpu.memory_space<hbm>> -> memref<100000x512xf32, #tpu.memory_space<hbm>>
      tpu.enqueue_indirect_dma source(%dma_start3A_74 : memref<100000x512xf32, #tpu.memory_space<hbm>>) target(%arg11 : memref<16x512xf32, #tpu.memory_space<vmem>>) offsets(%dma_start3A_71 : memref<16xi32, #tpu.memory_space<vmem>>) semaphore(%arg13 : memref<!tpu.dma_semaphore, #tpu.memory_space<semaphore_mem>>)
      %dma_wait3A_75 = arith.constant 0 : i32
      %dma_wait3A_76 = tpu.memref_slice %arg3[%add3A_60, %dma_wait3A_75] : memref<1000x100000xf32, #tpu.memory_space<hbm>> -> memref<1x100000xf32, #tpu.memory_space<hbm>>
      %dma_wait3A_77 = tpu.memref_squeeze %dma_wait3A_76 : memref<1x100000xf32, #tpu.memory_space<hbm>> -> memref<100000xf32, #tpu.memory_space<hbm>>
      %dma_wait3A_78 = arith.constant 0 : i32
      %dma_wait3A_79 = tpu.memref_slice %arg3[%add3A_60, %dma_wait3A_78] : memref<1000x100000xf32, #tpu.memory_space<hbm>> -> memref<1x100000xf32, #tpu.memory_space<hbm>>
      %dma_wait3A_80 = tpu.memref_squeeze %dma_wait3A_79 : memref<1x100000xf32, #tpu.memory_space<hbm>> -> memref<100000xf32, #tpu.memory_space<hbm>>
      tpu.wait_dma2 semaphore(%arg12 : memref<!tpu.dma_semaphore, #tpu.memory_space<semaphore_mem>>) src(%dma_wait3A_80 : memref<100000xf32, #tpu.memory_space<hbm>>) dst(%arg8 : memref<100000xf32, #tpu.memory_space<vmem>>)
      %scan3A = arith.constant 0 : i32
      %scan3A_81 = arith.constant 0 : i32
      %scan3A_82 = arith.constant 4 : i32
      %scan3A_83 = arith.addi %scan3A_81, %scan3A_82 : i32
      %scan3A_84 = arith.constant 1 : i32
      scf.for %scan3A_94 = %scan3A_81 to %scan3A_83 step %scan3A_84  : i32 {
        %mul3A_95 = arith.constant 2 : i32
        %mul3A_96 = arith.muli %scan3A_94, %mul3A_95 : i32
        %add3A_97 = arith.constant 0 : i32
        %add3A_98 = arith.addi %mul3A_96, %add3A_97 : i32
        %gt3A_99 = arith.constant 0 : i32
        %gt3A_100 = arith.cmpi sgt, %while3A_57, %gt3A_99 : i32
        %gt3A_101 = arith.constant 0 : i32
        %gt3A_102 = arith.cmpi sgt, %scan3A_94, %gt3A_101 : i32
        %or3A = arith.ori %gt3A_100, %gt3A_102 : i1
        %convert_element_type3A_103 = arith.extui %or3A : i1 to i32
        %cond3A_104 = arith.constant 0 : i32
        %cond3A_105 = arith.cmpi ne, %convert_element_type3A_103, %cond3A_104 : i32
        scf.if %cond3A_105 {
          %dma_wait3A_142 = arith.constant 0 : i32
          %dma_wait3A_143 = tpu.memref_slice %arg5[%add3A_60, %dma_wait3A_142] : memref<1000x16384xf32, #tpu.memory_space<hbm>> -> memref<1x2048xf32, #tpu.memory_space<hbm>>
          %dma_wait3A_144 = tpu.memref_squeeze %dma_wait3A_143 : memref<1x2048xf32, #tpu.memory_space<hbm>> -> memref<2048xf32, #tpu.memory_space<hbm>>
          %dma_wait3A_145 = arith.constant 0 : i32
          %dma_wait3A_146 = tpu.memref_slice %arg5[%add3A_60, %dma_wait3A_145] : memref<1000x16384xf32, #tpu.memory_space<hbm>> -> memref<1x2048xf32, #tpu.memory_space<hbm>>
          %dma_wait3A_147 = tpu.memref_squeeze %dma_wait3A_146 : memref<1x2048xf32, #tpu.memory_space<hbm>> -> memref<2048xf32, #tpu.memory_space<hbm>>
          tpu.wait_dma2 semaphore(%arg15 : memref<!tpu.dma_semaphore, #tpu.memory_space<semaphore_mem>>) src(%arg9 : memref<2048xf32, #tpu.memory_space<vmem>>) dst(%dma_wait3A_147 : memref<2048xf32, #tpu.memory_space<hbm>>)
        } else {
        }
        %scan3A_106 = arith.constant 0 : i32
        %scan3A_107 = arith.constant 0 : i32
        %scan3A_108 = arith.constant 16 : i32
        %scan3A_109 = arith.addi %scan3A_107, %scan3A_108 : i32
        %scan3A_110 = arith.constant 1 : i32
        scf.for %scan3A_142 = %scan3A_107 to %scan3A_109 step %scan3A_110  : i32 {
          %mul3A_143 = arith.constant 2048 : i32
          %mul3A_144 = arith.muli %add3A_98, %mul3A_143 : i32
          %mul3A_145 = arith.constant 128 : i32
          %mul3A_146 = arith.muli %scan3A_142, %mul3A_145 : i32
          %add3A_147 = arith.addi %mul3A_144, %mul3A_146 : i32
          %add3A_148 = arith.constant 0 : i32
          %add3A_149 = arith.addi %add3A_147, %add3A_148 : i32
          %multiple_of3A = tpu.assume_multiple %add3A_149, 16 : i32
          %get3A = arith.index_cast %multiple_of3A : i32 to index
          %get3A_150 = tpu.vector_load %arg7[%get3A] {strides = array<i32>} : memref<16384xi32, #tpu.memory_space<vmem>>, vector<16xi32>,
          %mul3A_151 = arith.constant 2048 : i32
          %mul3A_152 = arith.muli %add3A_98, %mul3A_151 : i32
          %mul3A_153 = arith.constant 128 : i32
          %mul3A_154 = arith.muli %scan3A_142, %mul3A_153 : i32
          %add3A_155 = arith.addi %mul3A_152, %mul3A_154 : i32
          %add3A_156 = arith.constant 16 : i32
          %add3A_157 = arith.addi %add3A_155, %add3A_156 : i32
          %multiple_of3A_158 = tpu.assume_multiple %add3A_157, 16 : i32
          %get3A_159 = arith.index_cast %multiple_of3A_158 : i32 to index
          %get3A_160 = tpu.vector_load %arg7[%get3A_159] {strides = array<i32>} : memref<16384xi32, #tpu.memory_space<vmem>>, vector<16xi32>,
          %mul3A_161 = arith.constant 2048 : i32
          %mul3A_162 = arith.muli %add3A_98, %mul3A_161 : i32
          %mul3A_163 = arith.constant 128 : i32
          %mul3A_164 = arith.muli %scan3A_142, %mul3A_163 : i32
          %add3A_165 = arith.addi %mul3A_162, %mul3A_164 : i32
          %add3A_166 = arith.constant 32 : i32
          %add3A_167 = arith.addi %add3A_165, %add3A_166 : i32
          %multiple_of3A_168 = tpu.assume_multiple %add3A_167, 16 : i32
          %get3A_169 = arith.index_cast %multiple_of3A_168 : i32 to index
          %get3A_170 = tpu.vector_load %arg7[%get3A_169] {strides = array<i32>} : memref<16384xi32, #tpu.memory_space<vmem>>, vector<16xi32>,
          %mul3A_171 = arith.constant 2048 : i32
          %mul3A_172 = arith.muli %add3A_98, %mul3A_171 : i32
          %mul3A_173 = arith.constant 128 : i32
          %mul3A_174 = arith.muli %scan3A_142, %mul3A_173 : i32
          %add3A_175 = arith.addi %mul3A_172, %mul3A_174 : i32
          %add3A_176 = arith.constant 48 : i32
          %add3A_177 = arith.addi %add3A_175, %add3A_176 : i32
          %multiple_of3A_178 = tpu.assume_multiple %add3A_177, 16 : i32
          %get3A_179 = arith.index_cast %multiple_of3A_178 : i32 to index
          %get3A_180 = tpu.vector_load %arg7[%get3A_179] {strides = array<i32>} : memref<16384xi32, #tpu.memory_space<vmem>>, vector<16xi32>,
          %mul3A_181 = arith.constant 2048 : i32
          %mul3A_182 = arith.muli %add3A_98, %mul3A_181 : i32
          %mul3A_183 = arith.constant 128 : i32
          %mul3A_184 = arith.muli %scan3A_142, %mul3A_183 : i32
          %add3A_185 = arith.addi %mul3A_182, %mul3A_184 : i32
          %add3A_186 = arith.constant 64 : i32
          %add3A_187 = arith.addi %add3A_185, %add3A_186 : i32
          %multiple_of3A_188 = tpu.assume_multiple %add3A_187, 16 : i32
          %get3A_189 = arith.index_cast %multiple_of3A_188 : i32 to index
          %get3A_190 = tpu.vector_load %arg7[%get3A_189] {strides = array<i32>} : memref<16384xi32, #tpu.memory_space<vmem>>, vector<16xi32>,
          %mul3A_191 = arith.constant 2048 : i32
          %mul3A_192 = arith.muli %add3A_98, %mul3A_191 : i32
          %mul3A_193 = arith.constant 128 : i32
          %mul3A_194 = arith.muli %scan3A_142, %mul3A_193 : i32
          %add3A_195 = arith.addi %mul3A_192, %mul3A_194 : i32
          %add3A_196 = arith.constant 80 : i32
          %add3A_197 = arith.addi %add3A_195, %add3A_196 : i32
          %multiple_of3A_198 = tpu.assume_multiple %add3A_197, 16 : i32
          %get3A_199 = arith.index_cast %multiple_of3A_198 : i32 to index
          %get3A_200 = tpu.vector_load %arg7[%get3A_199] {strides = array<i32>} : memref<16384xi32, #tpu.memory_space<vmem>>, vector<16xi32>,
          %mul3A_201 = arith.constant 2048 : i32
          %mul3A_202 = arith.muli %add3A_98, %mul3A_201 : i32
          %mul3A_203 = arith.constant 128 : i32
          %mul3A_204 = arith.muli %scan3A_142, %mul3A_203 : i32
          %add3A_205 = arith.addi %mul3A_202, %mul3A_204 : i32
          %add3A_206 = arith.constant 96 : i32
          %add3A_207 = arith.addi %add3A_205, %add3A_206 : i32
          %multiple_of3A_208 = tpu.assume_multiple %add3A_207, 16 : i32
          %get3A_209 = arith.index_cast %multiple_of3A_208 : i32 to index
          %get3A_210 = tpu.vector_load %arg7[%get3A_209] {strides = array<i32>} : memref<16384xi32, #tpu.memory_space<vmem>>, vector<16xi32>,
          %mul3A_211 = arith.constant 2048 : i32
          %mul3A_212 = arith.muli %add3A_98, %mul3A_211 : i32
          %mul3A_213 = arith.constant 128 : i32
          %mul3A_214 = arith.muli %scan3A_142, %mul3A_213 : i32
          %add3A_215 = arith.addi %mul3A_212, %mul3A_214 : i32
          %add3A_216 = arith.constant 112 : i32
          %add3A_217 = arith.addi %add3A_215, %add3A_216 : i32
          %multiple_of3A_218 = tpu.assume_multiple %add3A_217, 16 : i32
          %get3A_219 = arith.index_cast %multiple_of3A_218 : i32 to index
          %get3A_220 = tpu.vector_load %arg7[%get3A_219] {strides = array<i32>} : memref<16384xi32, #tpu.memory_space<vmem>>, vector<16xi32>,
          %gather3A = tpu.vector_load_idx %arg8[%get3A_150] : memref<100000xf32, #tpu.memory_space<vmem>>[vector<16xi32>], vector<16xf32>,
          %gather3A_221 = tpu.vector_load_idx %arg8[%get3A_160] : memref<100000xf32, #tpu.memory_space<vmem>>[vector<16xi32>], vector<16xf32>,
          %gather3A_222 = tpu.vector_load_idx %arg8[%get3A_170] : memref<100000xf32, #tpu.memory_space<vmem>>[vector<16xi32>], vector<16xf32>,
          %gather3A_223 = tpu.vector_load_idx %arg8[%get3A_180] : memref<100000xf32, #tpu.memory_space<vmem>>[vector<16xi32>], vector<16xf32>,
          %gather3A_224 = tpu.vector_load_idx %arg8[%get3A_190] : memref<100000xf32, #tpu.memory_space<vmem>>[vector<16xi32>], vector<16xf32>,
          %gather3A_225 = tpu.vector_load_idx %arg8[%get3A_200] : memref<100000xf32, #tpu.memory_space<vmem>>[vector<16xi32>], vector<16xf32>,
          %gather3A_226 = tpu.vector_load_idx %arg8[%get3A_210] : memref<100000xf32, #tpu.memory_space<vmem>>[vector<16xi32>], vector<16xf32>,
          %gather3A_227 = tpu.vector_load_idx %arg8[%get3A_220] : memref<100000xf32, #tpu.memory_space<vmem>>[vector<16xi32>], vector<16xf32>,
          %mul3A_228 = arith.constant 128 : i32
          %mul3A_229 = arith.muli %scan3A_142, %mul3A_228 : i32
          %add3A_230 = arith.constant 0 : i32
          %add3A_231 = arith.addi %mul3A_229, %add3A_230 : i32
          %multiple_of3A_232 = tpu.assume_multiple %add3A_231, 16 : i32
          %swap3A = arith.index_cast %multiple_of3A_232 : i32 to index
          %swap3A_233 = tpu.vector_load %arg9[%swap3A] {strides = array<i32>} : memref<2048xf32, #tpu.memory_space<vmem>>, vector<16xf32>,
          tpu.vector_store %arg9[%swap3A], %gather3A {strides = array<i32>} : memref<2048xf32, #tpu.memory_space<vmem>>, vector<16xf32>,
          %mul3A_234 = arith.constant 128 : i32
          %mul3A_235 = arith.muli %scan3A_142, %mul3A_234 : i32
          %add3A_236 = arith.constant 16 : i32
          %add3A_237 = arith.addi %mul3A_235, %add3A_236 : i32
          %multiple_of3A_238 = tpu.assume_multiple %add3A_237, 16 : i32
          %swap3A_239 = arith.index_cast %multiple_of3A_238 : i32 to index
          %swap3A_240 = tpu.vector_load %arg9[%swap3A_239] {strides = array<i32>} : memref<2048xf32, #tpu.memory_space<vmem>>, vector<16xf32>,
          tpu.vector_store %arg9[%swap3A_239], %gather3A_221 {strides = array<i32>} : memref<2048xf32, #tpu.memory_space<vmem>>, vector<16xf32>,
          %mul3A_241 = arith.constant 128 : i32
          %mul3A_242 = arith.muli %scan3A_142, %mul3A_241 : i32
          %add3A_243 = arith.constant 32 : i32
          %add3A_244 = arith.addi %mul3A_242, %add3A_243 : i32
          %multiple_of3A_245 = tpu.assume_multiple %add3A_244, 16 : i32
          %swap3A_246 = arith.index_cast %multiple_of3A_245 : i32 to index
          %swap3A_247 = tpu.vector_load %arg9[%swap3A_246] {strides = array<i32>} : memref<2048xf32, #tpu.memory_space<vmem>>, vector<16xf32>,
          tpu.vector_store %arg9[%swap3A_246], %gather3A_222 {strides = array<i32>} : memref<2048xf32, #tpu.memory_space<vmem>>, vector<16xf32>,
          %mul3A_248 = arith.constant 128 : i32
          %mul3A_249 = arith.muli %scan3A_142, %mul3A_248 : i32
          %add3A_250 = arith.constant 48 : i32
          %add3A_251 = arith.addi %mul3A_249, %add3A_250 : i32
          %multiple_of3A_252 = tpu.assume_multiple %add3A_251, 16 : i32
          %swap3A_253 = arith.index_cast %multiple_of3A_252 : i32 to index
          %swap3A_254 = tpu.vector_load %arg9[%swap3A_253] {strides = array<i32>} : memref<2048xf32, #tpu.memory_space<vmem>>, vector<16xf32>,
          tpu.vector_store %arg9[%swap3A_253], %gather3A_223 {strides = array<i32>} : memref<2048xf32, #tpu.memory_space<vmem>>, vector<16xf32>,
          %mul3A_255 = arith.constant 128 : i32
          %mul3A_256 = arith.muli %scan3A_142, %mul3A_255 : i32
          %add3A_257 = arith.constant 64 : i32
          %add3A_258 = arith.addi %mul3A_256, %add3A_257 : i32
          %multiple_of3A_259 = tpu.assume_multiple %add3A_258, 16 : i32
          %swap3A_260 = arith.index_cast %multiple_of3A_259 : i32 to index
          %swap3A_261 = tpu.vector_load %arg9[%swap3A_260] {strides = array<i32>} : memref<2048xf32, #tpu.memory_space<vmem>>, vector<16xf32>,
          tpu.vector_store %arg9[%swap3A_260], %gather3A_224 {strides = array<i32>} : memref<2048xf32, #tpu.memory_space<vmem>>, vector<16xf32>,
          %mul3A_262 = arith.constant 128 : i32
          %mul3A_263 = arith.muli %scan3A_142, %mul3A_262 : i32
          %add3A_264 = arith.constant 80 : i32
          %add3A_265 = arith.addi %mul3A_263, %add3A_264 : i32
          %multiple_of3A_266 = tpu.assume_multiple %add3A_265, 16 : i32
          %swap3A_267 = arith.index_cast %multiple_of3A_266 : i32 to index
          %swap3A_268 = tpu.vector_load %arg9[%swap3A_267] {strides = array<i32>} : memref<2048xf32, #tpu.memory_space<vmem>>, vector<16xf32>,
          tpu.vector_store %arg9[%swap3A_267], %gather3A_225 {strides = array<i32>} : memref<2048xf32, #tpu.memory_space<vmem>>, vector<16xf32>,
          %mul3A_269 = arith.constant 128 : i32
          %mul3A_270 = arith.muli %scan3A_142, %mul3A_269 : i32
          %add3A_271 = arith.constant 96 : i32
          %add3A_272 = arith.addi %mul3A_270, %add3A_271 : i32
          %multiple_of3A_273 = tpu.assume_multiple %add3A_272, 16 : i32
          %swap3A_274 = arith.index_cast %multiple_of3A_273 : i32 to index
          %swap3A_275 = tpu.vector_load %arg9[%swap3A_274] {strides = array<i32>} : memref<2048xf32, #tpu.memory_space<vmem>>, vector<16xf32>,
          tpu.vector_store %arg9[%swap3A_274], %gather3A_226 {strides = array<i32>} : memref<2048xf32, #tpu.memory_space<vmem>>, vector<16xf32>,
          %mul3A_276 = arith.constant 128 : i32
          %mul3A_277 = arith.muli %scan3A_142, %mul3A_276 : i32
          %add3A_278 = arith.constant 112 : i32
          %add3A_279 = arith.addi %mul3A_277, %add3A_278 : i32
          %multiple_of3A_280 = tpu.assume_multiple %add3A_279, 16 : i32
          %swap3A_281 = arith.index_cast %multiple_of3A_280 : i32 to index
          %swap3A_282 = tpu.vector_load %arg9[%swap3A_281] {strides = array<i32>} : memref<2048xf32, #tpu.memory_space<vmem>>, vector<16xf32>,
          tpu.vector_store %arg9[%swap3A_281], %gather3A_227 {strides = array<i32>} : memref<2048xf32, #tpu.memory_space<vmem>>, vector<16xf32>,
        }
        %scan3A_111 = arith.constant 16 : i32
        %mul3A_112 = arith.constant 2048 : i32
        %mul3A_113 = arith.muli %add3A_98, %mul3A_112 : i32
        %dma_start3A_114 = tpu.memref_slice %arg5[%add3A_60, %mul3A_113] : memref<1000x16384xf32, #tpu.memory_space<hbm>> -> memref<1x2048xf32, #tpu.memory_space<hbm>>
        %dma_start3A_115 = tpu.memref_squeeze %dma_start3A_114 : memref<1x2048xf32, #tpu.memory_space<hbm>> -> memref<2048xf32, #tpu.memory_space<hbm>>
        %dma_start3A_116 = tpu.memref_slice %arg5[%add3A_60, %mul3A_113] : memref<1000x16384xf32, #tpu.memory_space<hbm>> -> memref<1x2048xf32, #tpu.memory_space<hbm>>
        %dma_start3A_117 = tpu.memref_squeeze %dma_start3A_116 : memref<1x2048xf32, #tpu.memory_space<hbm>> -> memref<2048xf32, #tpu.memory_space<hbm>>
        tpu.enqueue_dma source(%arg9 : memref<2048xf32, #tpu.memory_space<vmem>>) target(%dma_start3A_117 : memref<2048xf32, #tpu.memory_space<hbm>>) target_semaphore(%arg15 : memref<!tpu.dma_semaphore, #tpu.memory_space<semaphore_mem>>)
        %mul3A_118 = arith.constant 2 : i32
        %mul3A_119 = arith.muli %scan3A_94, %mul3A_118 : i32
        %add3A_120 = arith.constant 1 : i32
        %add3A_121 = arith.addi %mul3A_119, %add3A_120 : i32
        %gt3A_122 = arith.constant 0 : i32
        %gt3A_123 = arith.cmpi sgt, %while3A_57, %gt3A_122 : i32
        %gt3A_124 = arith.constant 0 : i32
        %gt3A_125 = arith.cmpi sgt, %scan3A_94, %gt3A_124 : i32
        %or3A_126 = arith.ori %gt3A_123, %gt3A_125 : i1
        %convert_element_type3A_127 = arith.extui %or3A_126 : i1 to i32
        %cond3A_128 = arith.constant 0 : i32
        %cond3A_129 = arith.cmpi ne, %convert_element_type3A_127, %cond3A_128 : i32
        scf.if %cond3A_129 {
          %dma_wait3A_142 = arith.constant 0 : i32
          %dma_wait3A_143 = tpu.memref_slice %arg5[%add3A_60, %dma_wait3A_142] : memref<1000x16384xf32, #tpu.memory_space<hbm>> -> memref<1x2048xf32, #tpu.memory_space<hbm>>
          %dma_wait3A_144 = tpu.memref_squeeze %dma_wait3A_143 : memref<1x2048xf32, #tpu.memory_space<hbm>> -> memref<2048xf32, #tpu.memory_space<hbm>>
          %dma_wait3A_145 = arith.constant 0 : i32
          %dma_wait3A_146 = tpu.memref_slice %arg5[%add3A_60, %dma_wait3A_145] : memref<1000x16384xf32, #tpu.memory_space<hbm>> -> memref<1x2048xf32, #tpu.memory_space<hbm>>
          %dma_wait3A_147 = tpu.memref_squeeze %dma_wait3A_146 : memref<1x2048xf32, #tpu.memory_space<hbm>> -> memref<2048xf32, #tpu.memory_space<hbm>>
          tpu.wait_dma2 semaphore(%arg16 : memref<!tpu.dma_semaphore, #tpu.memory_space<semaphore_mem>>) src(%arg10 : memref<2048xf32, #tpu.memory_space<vmem>>) dst(%dma_wait3A_147 : memref<2048xf32, #tpu.memory_space<hbm>>)
        } else {
        }
        %scan3A_130 = arith.constant 0 : i32
        %scan3A_131 = arith.constant 0 : i32
        %scan3A_132 = arith.constant 16 : i32
        %scan3A_133 = arith.addi %scan3A_131, %scan3A_132 : i32
        %scan3A_134 = arith.constant 1 : i32
        scf.for %scan3A_142 = %scan3A_131 to %scan3A_133 step %scan3A_134  : i32 {
          %mul3A_143 = arith.constant 2048 : i32
          %mul3A_144 = arith.muli %add3A_121, %mul3A_143 : i32
          %mul3A_145 = arith.constant 128 : i32
          %mul3A_146 = arith.muli %scan3A_142, %mul3A_145 : i32
          %add3A_147 = arith.addi %mul3A_144, %mul3A_146 : i32
          %add3A_148 = arith.constant 0 : i32
          %add3A_149 = arith.addi %add3A_147, %add3A_148 : i32
          %multiple_of3A = tpu.assume_multiple %add3A_149, 16 : i32
          %get3A = arith.index_cast %multiple_of3A : i32 to index
          %get3A_150 = tpu.vector_load %arg7[%get3A] {strides = array<i32>} : memref<16384xi32, #tpu.memory_space<vmem>>, vector<16xi32>,
          %mul3A_151 = arith.constant 2048 : i32
          %mul3A_152 = arith.muli %add3A_121, %mul3A_151 : i32
          %mul3A_153 = arith.constant 128 : i32
          %mul3A_154 = arith.muli %scan3A_142, %mul3A_153 : i32
          %add3A_155 = arith.addi %mul3A_152, %mul3A_154 : i32
          %add3A_156 = arith.constant 16 : i32
          %add3A_157 = arith.addi %add3A_155, %add3A_156 : i32
          %multiple_of3A_158 = tpu.assume_multiple %add3A_157, 16 : i32
          %get3A_159 = arith.index_cast %multiple_of3A_158 : i32 to index
          %get3A_160 = tpu.vector_load %arg7[%get3A_159] {strides = array<i32>} : memref<16384xi32, #tpu.memory_space<vmem>>, vector<16xi32>,
          %mul3A_161 = arith.constant 2048 : i32
          %mul3A_162 = arith.muli %add3A_121, %mul3A_161 : i32
          %mul3A_163 = arith.constant 128 : i32
          %mul3A_164 = arith.muli %scan3A_142, %mul3A_163 : i32
          %add3A_165 = arith.addi %mul3A_162, %mul3A_164 : i32
          %add3A_166 = arith.constant 32 : i32
          %add3A_167 = arith.addi %add3A_165, %add3A_166 : i32
          %multiple_of3A_168 = tpu.assume_multiple %add3A_167, 16 : i32
          %get3A_169 = arith.index_cast %multiple_of3A_168 : i32 to index
          %get3A_170 = tpu.vector_load %arg7[%get3A_169] {strides = array<i32>} : memref<16384xi32, #tpu.memory_space<vmem>>, vector<16xi32>,
          %mul3A_171 = arith.constant 2048 : i32
          %mul3A_172 = arith.muli %add3A_121, %mul3A_171 : i32
          %mul3A_173 = arith.constant 128 : i32
          %mul3A_174 = arith.muli %scan3A_142, %mul3A_173 : i32
          %add3A_175 = arith.addi %mul3A_172, %mul3A_174 : i32
          %add3A_176 = arith.constant 48 : i32
          %add3A_177 = arith.addi %add3A_175, %add3A_176 : i32
          %multiple_of3A_178 = tpu.assume_multiple %add3A_177, 16 : i32
          %get3A_179 = arith.index_cast %multiple_of3A_178 : i32 to index
          %get3A_180 = tpu.vector_load %arg7[%get3A_179] {strides = array<i32>} : memref<16384xi32, #tpu.memory_space<vmem>>, vector<16xi32>,
          %mul3A_181 = arith.constant 2048 : i32
          %mul3A_182 = arith.muli %add3A_121, %mul3A_181 : i32
          %mul3A_183 = arith.constant 128 : i32
          %mul3A_184 = arith.muli %scan3A_142, %mul3A_183 : i32
          %add3A_185 = arith.addi %mul3A_182, %mul3A_184 : i32
          %add3A_186 = arith.constant 64 : i32
          %add3A_187 = arith.addi %add3A_185, %add3A_186 : i32
          %multiple_of3A_188 = tpu.assume_multiple %add3A_187, 16 : i32
          %get3A_189 = arith.index_cast %multiple_of3A_188 : i32 to index
          %get3A_190 = tpu.vector_load %arg7[%get3A_189] {strides = array<i32>} : memref<16384xi32, #tpu.memory_space<vmem>>, vector<16xi32>,
          %mul3A_191 = arith.constant 2048 : i32
          %mul3A_192 = arith.muli %add3A_121, %mul3A_191 : i32
          %mul3A_193 = arith.constant 128 : i32
          %mul3A_194 = arith.muli %scan3A_142, %mul3A_193 : i32
          %add3A_195 = arith.addi %mul3A_192, %mul3A_194 : i32
          %add3A_196 = arith.constant 80 : i32
          %add3A_197 = arith.addi %add3A_195, %add3A_196 : i32
          %multiple_of3A_198 = tpu.assume_multiple %add3A_197, 16 : i32
          %get3A_199 = arith.index_cast %multiple_of3A_198 : i32 to index
          %get3A_200 = tpu.vector_load %arg7[%get3A_199] {strides = array<i32>} : memref<16384xi32, #tpu.memory_space<vmem>>, vector<16xi32>,
          %mul3A_201 = arith.constant 2048 : i32
          %mul3A_202 = arith.muli %add3A_121, %mul3A_201 : i32
          %mul3A_203 = arith.constant 128 : i32
          %mul3A_204 = arith.muli %scan3A_142, %mul3A_203 : i32
          %add3A_205 = arith.addi %mul3A_202, %mul3A_204 : i32
          %add3A_206 = arith.constant 96 : i32
          %add3A_207 = arith.addi %add3A_205, %add3A_206 : i32
          %multiple_of3A_208 = tpu.assume_multiple %add3A_207, 16 : i32
          %get3A_209 = arith.index_cast %multiple_of3A_208 : i32 to index
          %get3A_210 = tpu.vector_load %arg7[%get3A_209] {strides = array<i32>} : memref<16384xi32, #tpu.memory_space<vmem>>, vector<16xi32>,
          %mul3A_211 = arith.constant 2048 : i32
          %mul3A_212 = arith.muli %add3A_121, %mul3A_211 : i32
          %mul3A_213 = arith.constant 128 : i32
          %mul3A_214 = arith.muli %scan3A_142, %mul3A_213 : i32
          %add3A_215 = arith.addi %mul3A_212, %mul3A_214 : i32
          %add3A_216 = arith.constant 112 : i32
          %add3A_217 = arith.addi %add3A_215, %add3A_216 : i32
          %multiple_of3A_218 = tpu.assume_multiple %add3A_217, 16 : i32
          %get3A_219 = arith.index_cast %multiple_of3A_218 : i32 to index
          %get3A_220 = tpu.vector_load %arg7[%get3A_219] {strides = array<i32>} : memref<16384xi32, #tpu.memory_space<vmem>>, vector<16xi32>,
          %gather3A = tpu.vector_load_idx %arg8[%get3A_150] : memref<100000xf32, #tpu.memory_space<vmem>>[vector<16xi32>], vector<16xf32>,
          %gather3A_221 = tpu.vector_load_idx %arg8[%get3A_160] : memref<100000xf32, #tpu.memory_space<vmem>>[vector<16xi32>], vector<16xf32>,
          %gather3A_222 = tpu.vector_load_idx %arg8[%get3A_170] : memref<100000xf32, #tpu.memory_space<vmem>>[vector<16xi32>], vector<16xf32>,
          %gather3A_223 = tpu.vector_load_idx %arg8[%get3A_180] : memref<100000xf32, #tpu.memory_space<vmem>>[vector<16xi32>], vector<16xf32>,
          %gather3A_224 = tpu.vector_load_idx %arg8[%get3A_190] : memref<100000xf32, #tpu.memory_space<vmem>>[vector<16xi32>], vector<16xf32>,
          %gather3A_225 = tpu.vector_load_idx %arg8[%get3A_200] : memref<100000xf32, #tpu.memory_space<vmem>>[vector<16xi32>], vector<16xf32>,
          %gather3A_226 = tpu.vector_load_idx %arg8[%get3A_210] : memref<100000xf32, #tpu.memory_space<vmem>>[vector<16xi32>], vector<16xf32>,
          %gather3A_227 = tpu.vector_load_idx %arg8[%get3A_220] : memref<100000xf32, #tpu.memory_space<vmem>>[vector<16xi32>], vector<16xf32>,
          %mul3A_228 = arith.constant 128 : i32
          %mul3A_229 = arith.muli %scan3A_142, %mul3A_228 : i32
          %add3A_230 = arith.constant 0 : i32
          %add3A_231 = arith.addi %mul3A_229, %add3A_230 : i32
          %multiple_of3A_232 = tpu.assume_multiple %add3A_231, 16 : i32
          %swap3A = arith.index_cast %multiple_of3A_232 : i32 to index
          %swap3A_233 = tpu.vector_load %arg10[%swap3A] {strides = array<i32>} : memref<2048xf32, #tpu.memory_space<vmem>>, vector<16xf32>,
          tpu.vector_store %arg10[%swap3A], %gather3A {strides = array<i32>} : memref<2048xf32, #tpu.memory_space<vmem>>, vector<16xf32>,
          %mul3A_234 = arith.constant 128 : i32
          %mul3A_235 = arith.muli %scan3A_142, %mul3A_234 : i32
          %add3A_236 = arith.constant 16 : i32
          %add3A_237 = arith.addi %mul3A_235, %add3A_236 : i32
          %multiple_of3A_238 = tpu.assume_multiple %add3A_237, 16 : i32
          %swap3A_239 = arith.index_cast %multiple_of3A_238 : i32 to index
          %swap3A_240 = tpu.vector_load %arg10[%swap3A_239] {strides = array<i32>} : memref<2048xf32, #tpu.memory_space<vmem>>, vector<16xf32>,
          tpu.vector_store %arg10[%swap3A_239], %gather3A_221 {strides = array<i32>} : memref<2048xf32, #tpu.memory_space<vmem>>, vector<16xf32>,
          %mul3A_241 = arith.constant 128 : i32
          %mul3A_242 = arith.muli %scan3A_142, %mul3A_241 : i32
          %add3A_243 = arith.constant 32 : i32
          %add3A_244 = arith.addi %mul3A_242, %add3A_243 : i32
          %multiple_of3A_245 = tpu.assume_multiple %add3A_244, 16 : i32
          %swap3A_246 = arith.index_cast %multiple_of3A_245 : i32 to index
          %swap3A_247 = tpu.vector_load %arg10[%swap3A_246] {strides = array<i32>} : memref<2048xf32, #tpu.memory_space<vmem>>, vector<16xf32>,
          tpu.vector_store %arg10[%swap3A_246], %gather3A_222 {strides = array<i32>} : memref<2048xf32, #tpu.memory_space<vmem>>, vector<16xf32>,
          %mul3A_248 = arith.constant 128 : i32
          %mul3A_249 = arith.muli %scan3A_142, %mul3A_248 : i32
          %add3A_250 = arith.constant 48 : i32
          %add3A_251 = arith.addi %mul3A_249, %add3A_250 : i32
          %multiple_of3A_252 = tpu.assume_multiple %add3A_251, 16 : i32
          %swap3A_253 = arith.index_cast %multiple_of3A_252 : i32 to index
          %swap3A_254 = tpu.vector_load %arg10[%swap3A_253] {strides = array<i32>} : memref<2048xf32, #tpu.memory_space<vmem>>, vector<16xf32>,
          tpu.vector_store %arg10[%swap3A_253], %gather3A_223 {strides = array<i32>} : memref<2048xf32, #tpu.memory_space<vmem>>, vector<16xf32>,
          %mul3A_255 = arith.constant 128 : i32
          %mul3A_256 = arith.muli %scan3A_142, %mul3A_255 : i32
          %add3A_257 = arith.constant 64 : i32
          %add3A_258 = arith.addi %mul3A_256, %add3A_257 : i32
          %multiple_of3A_259 = tpu.assume_multiple %add3A_258, 16 : i32
          %swap3A_260 = arith.index_cast %multiple_of3A_259 : i32 to index
          %swap3A_261 = tpu.vector_load %arg10[%swap3A_260] {strides = array<i32>} : memref<2048xf32, #tpu.memory_space<vmem>>, vector<16xf32>,
          tpu.vector_store %arg10[%swap3A_260], %gather3A_224 {strides = array<i32>} : memref<2048xf32, #tpu.memory_space<vmem>>, vector<16xf32>,
          %mul3A_262 = arith.constant 128 : i32
          %mul3A_263 = arith.muli %scan3A_142, %mul3A_262 : i32
          %add3A_264 = arith.constant 80 : i32
          %add3A_265 = arith.addi %mul3A_263, %add3A_264 : i32
          %multiple_of3A_266 = tpu.assume_multiple %add3A_265, 16 : i32
          %swap3A_267 = arith.index_cast %multiple_of3A_266 : i32 to index
          %swap3A_268 = tpu.vector_load %arg10[%swap3A_267] {strides = array<i32>} : memref<2048xf32, #tpu.memory_space<vmem>>, vector<16xf32>,
          tpu.vector_store %arg10[%swap3A_267], %gather3A_225 {strides = array<i32>} : memref<2048xf32, #tpu.memory_space<vmem>>, vector<16xf32>,
          %mul3A_269 = arith.constant 128 : i32
          %mul3A_270 = arith.muli %scan3A_142, %mul3A_269 : i32
          %add3A_271 = arith.constant 96 : i32
          %add3A_272 = arith.addi %mul3A_270, %add3A_271 : i32
          %multiple_of3A_273 = tpu.assume_multiple %add3A_272, 16 : i32
          %swap3A_274 = arith.index_cast %multiple_of3A_273 : i32 to index
          %swap3A_275 = tpu.vector_load %arg10[%swap3A_274] {strides = array<i32>} : memref<2048xf32, #tpu.memory_space<vmem>>, vector<16xf32>,
          tpu.vector_store %arg10[%swap3A_274], %gather3A_226 {strides = array<i32>} : memref<2048xf32, #tpu.memory_space<vmem>>, vector<16xf32>,
          %mul3A_276 = arith.constant 128 : i32
          %mul3A_277 = arith.muli %scan3A_142, %mul3A_276 : i32
          %add3A_278 = arith.constant 112 : i32
          %add3A_279 = arith.addi %mul3A_277, %add3A_278 : i32
          %multiple_of3A_280 = tpu.assume_multiple %add3A_279, 16 : i32
          %swap3A_281 = arith.index_cast %multiple_of3A_280 : i32 to index
          %swap3A_282 = tpu.vector_load %arg10[%swap3A_281] {strides = array<i32>} : memref<2048xf32, #tpu.memory_space<vmem>>, vector<16xf32>,
          tpu.vector_store %arg10[%swap3A_281], %gather3A_227 {strides = array<i32>} : memref<2048xf32, #tpu.memory_space<vmem>>, vector<16xf32>,
        }
        %scan3A_135 = arith.constant 16 : i32
        %mul3A_136 = arith.constant 2048 : i32
        %mul3A_137 = arith.muli %add3A_121, %mul3A_136 : i32
        %dma_start3A_138 = tpu.memref_slice %arg5[%add3A_60, %mul3A_137] : memref<1000x16384xf32, #tpu.memory_space<hbm>> -> memref<1x2048xf32, #tpu.memory_space<hbm>>
        %dma_start3A_139 = tpu.memref_squeeze %dma_start3A_138 : memref<1x2048xf32, #tpu.memory_space<hbm>> -> memref<2048xf32, #tpu.memory_space<hbm>>
        %dma_start3A_140 = tpu.memref_slice %arg5[%add3A_60, %mul3A_137] : memref<1000x16384xf32, #tpu.memory_space<hbm>> -> memref<1x2048xf32, #tpu.memory_space<hbm>>
        %dma_start3A_141 = tpu.memref_squeeze %dma_start3A_140 : memref<1x2048xf32, #tpu.memory_space<hbm>> -> memref<2048xf32, #tpu.memory_space<hbm>>
        tpu.enqueue_dma source(%arg10 : memref<2048xf32, #tpu.memory_space<vmem>>) target(%dma_start3A_141 : memref<2048xf32, #tpu.memory_space<hbm>>) target_semaphore(%arg16 : memref<!tpu.dma_semaphore, #tpu.memory_space<semaphore_mem>>)
      }
      %scan3A_85 = arith.constant 4 : i32
      %dma_wait3A_86 = tpu.memref_slice %arg7[%add3A_70] : memref<16384xi32, #tpu.memory_space<vmem>> -> memref<16xi32, #tpu.memory_space<vmem>>
      %dma_wait3A_87 = arith.constant 0 : i32
      %dma_wait3A_88 = arith.constant 0 : i32
      %dma_wait3A_89 = tpu.memref_slice %arg4[%dma_wait3A_87, %dma_wait3A_88] : memref<100000x512xf32, #tpu.memory_space<hbm>> -> memref<100000x512xf32, #tpu.memory_space<hbm>>
      tpu.wait_indirect_dma semaphore(%arg13 : memref<!tpu.dma_semaphore, #tpu.memory_space<semaphore_mem>>) src(%dma_wait3A_89 : memref<100000x512xf32, #tpu.memory_space<hbm>>) dst(%arg11 : memref<16x512xf32, #tpu.memory_space<vmem>>)
      %dma_start3A_90 = arith.constant 0 : i32
      %dma_start3A_91 = tpu.memref_slice %arg6[%add3A_70, %dma_start3A_90] : memref<16384x512xf32, #tpu.memory_space<hbm>> -> memref<16x512xf32, #tpu.memory_space<hbm>>
      %dma_start3A_92 = arith.constant 0 : i32
      %dma_start3A_93 = tpu.memref_slice %arg6[%add3A_70, %dma_start3A_92] : memref<16384x512xf32, #tpu.memory_space<hbm>> -> memref<16x512xf32, #tpu.memory_space<hbm>>
      tpu.enqueue_dma source(%arg11 : memref<16x512xf32, #tpu.memory_space<vmem>>) target(%dma_start3A_93 : memref<16x512xf32, #tpu.memory_space<hbm>>) target_semaphore(%arg14 : memref<!tpu.dma_semaphore, #tpu.memory_space<semaphore_mem>>)
    }
    %while3A_31 = arith.constant 1 : i32
    scf.for %while3A_57 = %while3A_29 to %while3A_25 step %while3A_31  : i32 {
      %mul3A_58 = arith.constant 32 : i32
      %mul3A_59 = arith.muli %mul3A_58, %while3A_57 : i32
      %add3A_60 = arith.addi %add3A, %mul3A_59 : i32
      %dma_start3A = arith.constant 0 : i32
      %dma_start3A_61 = tpu.memref_slice %arg3[%add3A_60, %dma_start3A] : memref<1000x100000xf32, #tpu.memory_space<hbm>> -> memref<1x100000xf32, #tpu.memory_space<hbm>>
      %dma_start3A_62 = tpu.memref_squeeze %dma_start3A_61 : memref<1x100000xf32, #tpu.memory_space<hbm>> -> memref<100000xf32, #tpu.memory_space<hbm>>
      %dma_start3A_63 = arith.constant 0 : i32
      %dma_start3A_64 = tpu.memref_slice %arg3[%add3A_60, %dma_start3A_63] : memref<1000x100000xf32, #tpu.memory_space<hbm>> -> memref<1x100000xf32, #tpu.memory_space<hbm>>
      %dma_start3A_65 = tpu.memref_squeeze %dma_start3A_64 : memref<1x100000xf32, #tpu.memory_space<hbm>> -> memref<100000xf32, #tpu.memory_space<hbm>>
      tpu.enqueue_dma source(%dma_start3A_65 : memref<100000xf32, #tpu.memory_space<hbm>>) target(%arg8 : memref<100000xf32, #tpu.memory_space<vmem>>) target_semaphore(%arg12 : memref<!tpu.dma_semaphore, #tpu.memory_space<semaphore_mem>>)
      %gt3A = arith.constant 0 : i32
      %gt3A_66 = arith.cmpi sgt, %while3A_57, %gt3A : i32
      %convert_element_type3A = arith.extui %gt3A_66 : i1 to i32
      %cond3A = arith.constant 0 : i32
      %cond3A_67 = arith.cmpi ne, %convert_element_type3A, %cond3A : i32
      scf.if %cond3A_67 {
        %dma_wait3A_94 = arith.constant 0 : i32
        %dma_wait3A_95 = tpu.memref_slice %arg6[%mul3A_2, %dma_wait3A_94] : memref<16384x512xf32, #tpu.memory_space<hbm>> -> memref<16x512xf32, #tpu.memory_space<hbm>>
        %dma_wait3A_96 = arith.constant 0 : i32
        %dma_wait3A_97 = tpu.memref_slice %arg6[%mul3A_2, %dma_wait3A_96] : memref<16384x512xf32, #tpu.memory_space<hbm>> -> memref<16x512xf32, #tpu.memory_space<hbm>>
        tpu.wait_dma2 semaphore(%arg14 : memref<!tpu.dma_semaphore, #tpu.memory_space<semaphore_mem>>) src(%arg11 : memref<16x512xf32, #tpu.memory_space<vmem>>) dst(%dma_wait3A_97 : memref<16x512xf32, #tpu.memory_space<hbm>>)
      } else {
      }
      %mul3A_68 = arith.constant 16 : i32
      %mul3A_69 = arith.muli %while3A_57, %mul3A_68 : i32
      %add3A_70 = arith.addi %mul3A_2, %mul3A_69 : i32
      %dma_start3A_71 = tpu.memref_slice %arg7[%add3A_70] : memref<16384xi32, #tpu.memory_space<vmem>> -> memref<16xi32, #tpu.memory_space<vmem>>
      %dma_start3A_72 = arith.constant 0 : i32
      %dma_start3A_73 = arith.constant 0 : i32
      %dma_start3A_74 = tpu.memref_slice %arg4[%dma_start3A_72, %dma_start3A_73] : memref<100000x512xf32, #tpu.memory_space<hbm>> -> memref<100000x512xf32, #tpu.memory_space<hbm>>
      tpu.enqueue_indirect_dma source(%dma_start3A_74 : memref<100000x512xf32, #tpu.memory_space<hbm>>) target(%arg11 : memref<16x512xf32, #tpu.memory_space<vmem>>) offsets(%dma_start3A_71 : memref<16xi32, #tpu.memory_space<vmem>>) semaphore(%arg13 : memref<!tpu.dma_semaphore, #tpu.memory_space<semaphore_mem>>)
      %dma_wait3A_75 = arith.constant 0 : i32
      %dma_wait3A_76 = tpu.memref_slice %arg3[%add3A_60, %dma_wait3A_75] : memref<1000x100000xf32, #tpu.memory_space<hbm>> -> memref<1x100000xf32, #tpu.memory_space<hbm>>
      %dma_wait3A_77 = tpu.memref_squeeze %dma_wait3A_76 : memref<1x100000xf32, #tpu.memory_space<hbm>> -> memref<100000xf32, #tpu.memory_space<hbm>>
      %dma_wait3A_78 = arith.constant 0 : i32
      %dma_wait3A_79 = tpu.memref_slice %arg3[%add3A_60, %dma_wait3A_78] : memref<1000x100000xf32, #tpu.memory_space<hbm>> -> memref<1x100000xf32, #tpu.memory_space<hbm>>
      %dma_wait3A_80 = tpu.memref_squeeze %dma_wait3A_79 : memref<1x100000xf32, #tpu.memory_space<hbm>> -> memref<100000xf32, #tpu.memory_space<hbm>>
      tpu.wait_dma2 semaphore(%arg12 : memref<!tpu.dma_semaphore, #tpu.memory_space<semaphore_mem>>) src(%dma_wait3A_80 : memref<100000xf32, #tpu.memory_space<hbm>>) dst(%arg8 : memref<100000xf32, #tpu.memory_space<vmem>>)
      %scan3A = arith.constant 0 : i32
      %scan3A_81 = arith.constant 0 : i32
      %scan3A_82 = arith.constant 4 : i32
      %scan3A_83 = arith.addi %scan3A_81, %scan3A_82 : i32
      %scan3A_84 = arith.constant 1 : i32
      scf.for %scan3A_94 = %scan3A_81 to %scan3A_83 step %scan3A_84  : i32 {
        %mul3A_95 = arith.constant 2 : i32
        %mul3A_96 = arith.muli %scan3A_94, %mul3A_95 : i32
        %add3A_97 = arith.constant 0 : i32
        %add3A_98 = arith.addi %mul3A_96, %add3A_97 : i32
        %gt3A_99 = arith.constant 0 : i32
        %gt3A_100 = arith.cmpi sgt, %while3A_57, %gt3A_99 : i32
        %gt3A_101 = arith.constant 0 : i32
        %gt3A_102 = arith.cmpi sgt, %scan3A_94, %gt3A_101 : i32
        %or3A = arith.ori %gt3A_100, %gt3A_102 : i1
        %convert_element_type3A_103 = arith.extui %or3A : i1 to i32
        %cond3A_104 = arith.constant 0 : i32
        %cond3A_105 = arith.cmpi ne, %convert_element_type3A_103, %cond3A_104 : i32
        scf.if %cond3A_105 {
          %dma_wait3A_142 = arith.constant 0 : i32
          %dma_wait3A_143 = tpu.memref_slice %arg5[%add3A_60, %dma_wait3A_142] : memref<1000x16384xf32, #tpu.memory_space<hbm>> -> memref<1x2048xf32, #tpu.memory_space<hbm>>
          %dma_wait3A_144 = tpu.memref_squeeze %dma_wait3A_143 : memref<1x2048xf32, #tpu.memory_space<hbm>> -> memref<2048xf32, #tpu.memory_space<hbm>>
          %dma_wait3A_145 = arith.constant 0 : i32
          %dma_wait3A_146 = tpu.memref_slice %arg5[%add3A_60, %dma_wait3A_145] : memref<1000x16384xf32, #tpu.memory_space<hbm>> -> memref<1x2048xf32, #tpu.memory_space<hbm>>
          %dma_wait3A_147 = tpu.memref_squeeze %dma_wait3A_146 : memref<1x2048xf32, #tpu.memory_space<hbm>> -> memref<2048xf32, #tpu.memory_space<hbm>>
          tpu.wait_dma2 semaphore(%arg15 : memref<!tpu.dma_semaphore, #tpu.memory_space<semaphore_mem>>) src(%arg9 : memref<2048xf32, #tpu.memory_space<vmem>>) dst(%dma_wait3A_147 : memref<2048xf32, #tpu.memory_space<hbm>>)
        } else {
        }
        %scan3A_106 = arith.constant 0 : i32
        %scan3A_107 = arith.constant 0 : i32
        %scan3A_108 = arith.constant 16 : i32
        %scan3A_109 = arith.addi %scan3A_107, %scan3A_108 : i32
        %scan3A_110 = arith.constant 1 : i32
        scf.for %scan3A_142 = %scan3A_107 to %scan3A_109 step %scan3A_110  : i32 {
          %mul3A_143 = arith.constant 2048 : i32
          %mul3A_144 = arith.muli %add3A_98, %mul3A_143 : i32
          %mul3A_145 = arith.constant 128 : i32
          %mul3A_146 = arith.muli %scan3A_142, %mul3A_145 : i32
          %add3A_147 = arith.addi %mul3A_144, %mul3A_146 : i32
          %add3A_148 = arith.constant 0 : i32
          %add3A_149 = arith.addi %add3A_147, %add3A_148 : i32
          %multiple_of3A = tpu.assume_multiple %add3A_149, 16 : i32
          %get3A = arith.index_cast %multiple_of3A : i32 to index
          %get3A_150 = tpu.vector_load %arg7[%get3A] {strides = array<i32>} : memref<16384xi32, #tpu.memory_space<vmem>>, vector<16xi32>,
          %mul3A_151 = arith.constant 2048 : i32
          %mul3A_152 = arith.muli %add3A_98, %mul3A_151 : i32
          %mul3A_153 = arith.constant 128 : i32
          %mul3A_154 = arith.muli %scan3A_142, %mul3A_153 : i32
          %add3A_155 = arith.addi %mul3A_152, %mul3A_154 : i32
          %add3A_156 = arith.constant 16 : i32
          %add3A_157 = arith.addi %add3A_155, %add3A_156 : i32
          %multiple_of3A_158 = tpu.assume_multiple %add3A_157, 16 : i32
          %get3A_159 = arith.index_cast %multiple_of3A_158 : i32 to index
          %get3A_160 = tpu.vector_load %arg7[%get3A_159] {strides = array<i32>} : memref<16384xi32, #tpu.memory_space<vmem>>, vector<16xi32>,
          %mul3A_161 = arith.constant 2048 : i32
          %mul3A_162 = arith.muli %add3A_98, %mul3A_161 : i32
          %mul3A_163 = arith.constant 128 : i32
          %mul3A_164 = arith.muli %scan3A_142, %mul3A_163 : i32
          %add3A_165 = arith.addi %mul3A_162, %mul3A_164 : i32
          %add3A_166 = arith.constant 32 : i32
          %add3A_167 = arith.addi %add3A_165, %add3A_166 : i32
          %multiple_of3A_168 = tpu.assume_multiple %add3A_167, 16 : i32
          %get3A_169 = arith.index_cast %multiple_of3A_168 : i32 to index
          %get3A_170 = tpu.vector_load %arg7[%get3A_169] {strides = array<i32>} : memref<16384xi32, #tpu.memory_space<vmem>>, vector<16xi32>,
          %mul3A_171 = arith.constant 2048 : i32
          %mul3A_172 = arith.muli %add3A_98, %mul3A_171 : i32
          %mul3A_173 = arith.constant 128 : i32
          %mul3A_174 = arith.muli %scan3A_142, %mul3A_173 : i32
          %add3A_175 = arith.addi %mul3A_172, %mul3A_174 : i32
          %add3A_176 = arith.constant 48 : i32
          %add3A_177 = arith.addi %add3A_175, %add3A_176 : i32
          %multiple_of3A_178 = tpu.assume_multiple %add3A_177, 16 : i32
          %get3A_179 = arith.index_cast %multiple_of3A_178 : i32 to index
          %get3A_180 = tpu.vector_load %arg7[%get3A_179] {strides = array<i32>} : memref<16384xi32, #tpu.memory_space<vmem>>, vector<16xi32>,
          %mul3A_181 = arith.constant 2048 : i32
          %mul3A_182 = arith.muli %add3A_98, %mul3A_181 : i32
          %mul3A_183 = arith.constant 128 : i32
          %mul3A_184 = arith.muli %scan3A_142, %mul3A_183 : i32
          %add3A_185 = arith.addi %mul3A_182, %mul3A_184 : i32
          %add3A_186 = arith.constant 64 : i32
          %add3A_187 = arith.addi %add3A_185, %add3A_186 : i32
          %multiple_of3A_188 = tpu.assume_multiple %add3A_187, 16 : i32
          %get3A_189 = arith.index_cast %multiple_of3A_188 : i32 to index
          %get3A_190 = tpu.vector_load %arg7[%get3A_189] {strides = array<i32>} : memref<16384xi32, #tpu.memory_space<vmem>>, vector<16xi32>,
          %mul3A_191 = arith.constant 2048 : i32
          %mul3A_192 = arith.muli %add3A_98, %mul3A_191 : i32
          %mul3A_193 = arith.constant 128 : i32
          %mul3A_194 = arith.muli %scan3A_142, %mul3A_193 : i32
          %add3A_195 = arith.addi %mul3A_192, %mul3A_194 : i32
          %add3A_196 = arith.constant 80 : i32
          %add3A_197 = arith.addi %add3A_195, %add3A_196 : i32
          %multiple_of3A_198 = tpu.assume_multiple %add3A_197, 16 : i32
          %get3A_199 = arith.index_cast %multiple_of3A_198 : i32 to index
          %get3A_200 = tpu.vector_load %arg7[%get3A_199] {strides = array<i32>} : memref<16384xi32, #tpu.memory_space<vmem>>, vector<16xi32>,
          %mul3A_201 = arith.constant 2048 : i32
          %mul3A_202 = arith.muli %add3A_98, %mul3A_201 : i32
          %mul3A_203 = arith.constant 128 : i32
          %mul3A_204 = arith.muli %scan3A_142, %mul3A_203 : i32
          %add3A_205 = arith.addi %mul3A_202, %mul3A_204 : i32
          %add3A_206 = arith.constant 96 : i32
          %add3A_207 = arith.addi %add3A_205, %add3A_206 : i32
          %multiple_of3A_208 = tpu.assume_multiple %add3A_207, 16 : i32
          %get3A_209 = arith.index_cast %multiple_of3A_208 : i32 to index
          %get3A_210 = tpu.vector_load %arg7[%get3A_209] {strides = array<i32>} : memref<16384xi32, #tpu.memory_space<vmem>>, vector<16xi32>,
          %mul3A_211 = arith.constant 2048 : i32
          %mul3A_212 = arith.muli %add3A_98, %mul3A_211 : i32
          %mul3A_213 = arith.constant 128 : i32
          %mul3A_214 = arith.muli %scan3A_142, %mul3A_213 : i32
          %add3A_215 = arith.addi %mul3A_212, %mul3A_214 : i32
          %add3A_216 = arith.constant 112 : i32
          %add3A_217 = arith.addi %add3A_215, %add3A_216 : i32
          %multiple_of3A_218 = tpu.assume_multiple %add3A_217, 16 : i32
          %get3A_219 = arith.index_cast %multiple_of3A_218 : i32 to index
          %get3A_220 = tpu.vector_load %arg7[%get3A_219] {strides = array<i32>} : memref<16384xi32, #tpu.memory_space<vmem>>, vector<16xi32>,
          %gather3A = tpu.vector_load_idx %arg8[%get3A_150] : memref<100000xf32, #tpu.memory_space<vmem>>[vector<16xi32>], vector<16xf32>,
          %gather3A_221 = tpu.vector_load_idx %arg8[%get3A_160] : memref<100000xf32, #tpu.memory_space<vmem>>[vector<16xi32>], vector<16xf32>,
          %gather3A_222 = tpu.vector_load_idx %arg8[%get3A_170] : memref<100000xf32, #tpu.memory_space<vmem>>[vector<16xi32>], vector<16xf32>,
          %gather3A_223 = tpu.vector_load_idx %arg8[%get3A_180] : memref<100000xf32, #tpu.memory_space<vmem>>[vector<16xi32>], vector<16xf32>,
          %gather3A_224 = tpu.vector_load_idx %arg8[%get3A_190] : memref<100000xf32, #tpu.memory_space<vmem>>[vector<16xi32>], vector<16xf32>,
          %gather3A_225 = tpu.vector_load_idx %arg8[%get3A_200] : memref<100000xf32, #tpu.memory_space<vmem>>[vector<16xi32>], vector<16xf32>,
          %gather3A_226 = tpu.vector_load_idx %arg8[%get3A_210] : memref<100000xf32, #tpu.memory_space<vmem>>[vector<16xi32>], vector<16xf32>,
          %gather3A_227 = tpu.vector_load_idx %arg8[%get3A_220] : memref<100000xf32, #tpu.memory_space<vmem>>[vector<16xi32>], vector<16xf32>,
          %mul3A_228 = arith.constant 128 : i32
          %mul3A_229 = arith.muli %scan3A_142, %mul3A_228 : i32
          %add3A_230 = arith.constant 0 : i32
          %add3A_231 = arith.addi %mul3A_229, %add3A_230 : i32
          %multiple_of3A_232 = tpu.assume_multiple %add3A_231, 16 : i32
          %swap3A = arith.index_cast %multiple_of3A_232 : i32 to index
          %swap3A_233 = tpu.vector_load %arg9[%swap3A] {strides = array<i32>} : memref<2048xf32, #tpu.memory_space<vmem>>, vector<16xf32>,
          tpu.vector_store %arg9[%swap3A], %gather3A {strides = array<i32>} : memref<2048xf32, #tpu.memory_space<vmem>>, vector<16xf32>,
          %mul3A_234 = arith.constant 128 : i32
          %mul3A_235 = arith.muli %scan3A_142, %mul3A_234 : i32
          %add3A_236 = arith.constant 16 : i32
          %add3A_237 = arith.addi %mul3A_235, %add3A_236 : i32
          %multiple_of3A_238 = tpu.assume_multiple %add3A_237, 16 : i32
          %swap3A_239 = arith.index_cast %multiple_of3A_238 : i32 to index
          %swap3A_240 = tpu.vector_load %arg9[%swap3A_239] {strides = array<i32>} : memref<2048xf32, #tpu.memory_space<vmem>>, vector<16xf32>,
          tpu.vector_store %arg9[%swap3A_239], %gather3A_221 {strides = array<i32>} : memref<2048xf32, #tpu.memory_space<vmem>>, vector<16xf32>,
          %mul3A_241 = arith.constant 128 : i32
          %mul3A_242 = arith.muli %scan3A_142, %mul3A_241 : i32
          %add3A_243 = arith.constant 32 : i32
          %add3A_244 = arith.addi %mul3A_242, %add3A_243 : i32
          %multiple_of3A_245 = tpu.assume_multiple %add3A_244, 16 : i32
          %swap3A_246 = arith.index_cast %multiple_of3A_245 : i32 to index
          %swap3A_247 = tpu.vector_load %arg9[%swap3A_246] {strides = array<i32>} : memref<2048xf32, #tpu.memory_space<vmem>>, vector<16xf32>,
          tpu.vector_store %arg9[%swap3A_246], %gather3A_222 {strides = array<i32>} : memref<2048xf32, #tpu.memory_space<vmem>>, vector<16xf32>,
          %mul3A_248 = arith.constant 128 : i32
          %mul3A_249 = arith.muli %scan3A_142, %mul3A_248 : i32
          %add3A_250 = arith.constant 48 : i32
          %add3A_251 = arith.addi %mul3A_249, %add3A_250 : i32
          %multiple_of3A_252 = tpu.assume_multiple %add3A_251, 16 : i32
          %swap3A_253 = arith.index_cast %multiple_of3A_252 : i32 to index
          %swap3A_254 = tpu.vector_load %arg9[%swap3A_253] {strides = array<i32>} : memref<2048xf32, #tpu.memory_space<vmem>>, vector<16xf32>,
          tpu.vector_store %arg9[%swap3A_253], %gather3A_223 {strides = array<i32>} : memref<2048xf32, #tpu.memory_space<vmem>>, vector<16xf32>,
          %mul3A_255 = arith.constant 128 : i32
          %mul3A_256 = arith.muli %scan3A_142, %mul3A_255 : i32
          %add3A_257 = arith.constant 64 : i32
          %add3A_258 = arith.addi %mul3A_256, %add3A_257 : i32
          %multiple_of3A_259 = tpu.assume_multiple %add3A_258, 16 : i32
          %swap3A_260 = arith.index_cast %multiple_of3A_259 : i32 to index
          %swap3A_261 = tpu.vector_load %arg9[%swap3A_260] {strides = array<i32>} : memref<2048xf32, #tpu.memory_space<vmem>>, vector<16xf32>,
          tpu.vector_store %arg9[%swap3A_260], %gather3A_224 {strides = array<i32>} : memref<2048xf32, #tpu.memory_space<vmem>>, vector<16xf32>,
          %mul3A_262 = arith.constant 128 : i32
          %mul3A_263 = arith.muli %scan3A_142, %mul3A_262 : i32
          %add3A_264 = arith.constant 80 : i32
          %add3A_265 = arith.addi %mul3A_263, %add3A_264 : i32
          %multiple_of3A_266 = tpu.assume_multiple %add3A_265, 16 : i32
          %swap3A_267 = arith.index_cast %multiple_of3A_266 : i32 to index
          %swap3A_268 = tpu.vector_load %arg9[%swap3A_267] {strides = array<i32>} : memref<2048xf32, #tpu.memory_space<vmem>>, vector<16xf32>,
          tpu.vector_store %arg9[%swap3A_267], %gather3A_225 {strides = array<i32>} : memref<2048xf32, #tpu.memory_space<vmem>>, vector<16xf32>,
          %mul3A_269 = arith.constant 128 : i32
          %mul3A_270 = arith.muli %scan3A_142, %mul3A_269 : i32
          %add3A_271 = arith.constant 96 : i32
          %add3A_272 = arith.addi %mul3A_270, %add3A_271 : i32
          %multiple_of3A_273 = tpu.assume_multiple %add3A_272, 16 : i32
          %swap3A_274 = arith.index_cast %multiple_of3A_273 : i32 to index
          %swap3A_275 = tpu.vector_load %arg9[%swap3A_274] {strides = array<i32>} : memref<2048xf32, #tpu.memory_space<vmem>>, vector<16xf32>,
          tpu.vector_store %arg9[%swap3A_274], %gather3A_226 {strides = array<i32>} : memref<2048xf32, #tpu.memory_space<vmem>>, vector<16xf32>,
          %mul3A_276 = arith.constant 128 : i32
          %mul3A_277 = arith.muli %scan3A_142, %mul3A_276 : i32
          %add3A_278 = arith.constant 112 : i32
          %add3A_279 = arith.addi %mul3A_277, %add3A_278 : i32
          %multiple_of3A_280 = tpu.assume_multiple %add3A_279, 16 : i32
          %swap3A_281 = arith.index_cast %multiple_of3A_280 : i32 to index
          %swap3A_282 = tpu.vector_load %arg9[%swap3A_281] {strides = array<i32>} : memref<2048xf32, #tpu.memory_space<vmem>>, vector<16xf32>,
          tpu.vector_store %arg9[%swap3A_281], %gather3A_227 {strides = array<i32>} : memref<2048xf32, #tpu.memory_space<vmem>>, vector<16xf32>,
        }
        %scan3A_111 = arith.constant 16 : i32
        %mul3A_112 = arith.constant 2048 : i32
        %mul3A_113 = arith.muli %add3A_98, %mul3A_112 : i32
        %dma_start3A_114 = tpu.memref_slice %arg5[%add3A_60, %mul3A_113] : memref<1000x16384xf32, #tpu.memory_space<hbm>> -> memref<1x2048xf32, #tpu.memory_space<hbm>>
        %dma_start3A_115 = tpu.memref_squeeze %dma_start3A_114 : memref<1x2048xf32, #tpu.memory_space<hbm>> -> memref<2048xf32, #tpu.memory_space<hbm>>
        %dma_start3A_116 = tpu.memref_slice %arg5[%add3A_60, %mul3A_113] : memref<1000x16384xf32, #tpu.memory_space<hbm>> -> memref<1x2048xf32, #tpu.memory_space<hbm>>
        %dma_start3A_117 = tpu.memref_squeeze %dma_start3A_116 : memref<1x2048xf32, #tpu.memory_space<hbm>> -> memref<2048xf32, #tpu.memory_space<hbm>>
        tpu.enqueue_dma source(%arg9 : memref<2048xf32, #tpu.memory_space<vmem>>) target(%dma_start3A_117 : memref<2048xf32, #tpu.memory_space<hbm>>) target_semaphore(%arg15 : memref<!tpu.dma_semaphore, #tpu.memory_space<semaphore_mem>>)
        %mul3A_118 = arith.constant 2 : i32
        %mul3A_119 = arith.muli %scan3A_94, %mul3A_118 : i32
        %add3A_120 = arith.constant 1 : i32
        %add3A_121 = arith.addi %mul3A_119, %add3A_120 : i32
        %gt3A_122 = arith.constant 0 : i32
        %gt3A_123 = arith.cmpi sgt, %while3A_57, %gt3A_122 : i32
        %gt3A_124 = arith.constant 0 : i32
        %gt3A_125 = arith.cmpi sgt, %scan3A_94, %gt3A_124 : i32
        %or3A_126 = arith.ori %gt3A_123, %gt3A_125 : i1
        %convert_element_type3A_127 = arith.extui %or3A_126 : i1 to i32
        %cond3A_128 = arith.constant 0 : i32
        %cond3A_129 = arith.cmpi ne, %convert_element_type3A_127, %cond3A_128 : i32
        scf.if %cond3A_129 {
          %dma_wait3A_142 = arith.constant 0 : i32
          %dma_wait3A_143 = tpu.memref_slice %arg5[%add3A_60, %dma_wait3A_142] : memref<1000x16384xf32, #tpu.memory_space<hbm>> -> memref<1x2048xf32, #tpu.memory_space<hbm>>
          %dma_wait3A_144 = tpu.memref_squeeze %dma_wait3A_143 : memref<1x2048xf32, #tpu.memory_space<hbm>> -> memref<2048xf32, #tpu.memory_space<hbm>>
          %dma_wait3A_145 = arith.constant 0 : i32
          %dma_wait3A_146 = tpu.memref_slice %arg5[%add3A_60, %dma_wait3A_145] : memref<1000x16384xf32, #tpu.memory_space<hbm>> -> memref<1x2048xf32, #tpu.memory_space<hbm>>
          %dma_wait3A_147 = tpu.memref_squeeze %dma_wait3A_146 : memref<1x2048xf32, #tpu.memory_space<hbm>> -> memref<2048xf32, #tpu.memory_space<hbm>>
          tpu.wait_dma2 semaphore(%arg16 : memref<!tpu.dma_semaphore, #tpu.memory_space<semaphore_mem>>) src(%arg10 : memref<2048xf32, #tpu.memory_space<vmem>>) dst(%dma_wait3A_147 : memref<2048xf32, #tpu.memory_space<hbm>>)
        } else {
        }
        %scan3A_130 = arith.constant 0 : i32
        %scan3A_131 = arith.constant 0 : i32
        %scan3A_132 = arith.constant 16 : i32
        %scan3A_133 = arith.addi %scan3A_131, %scan3A_132 : i32
        %scan3A_134 = arith.constant 1 : i32
        scf.for %scan3A_142 = %scan3A_131 to %scan3A_133 step %scan3A_134  : i32 {
          %mul3A_143 = arith.constant 2048 : i32
          %mul3A_144 = arith.muli %add3A_121, %mul3A_143 : i32
          %mul3A_145 = arith.constant 128 : i32
          %mul3A_146 = arith.muli %scan3A_142, %mul3A_145 : i32
          %add3A_147 = arith.addi %mul3A_144, %mul3A_146 : i32
          %add3A_148 = arith.constant 0 : i32
          %add3A_149 = arith.addi %add3A_147, %add3A_148 : i32
          %multiple_of3A = tpu.assume_multiple %add3A_149, 16 : i32
          %get3A = arith.index_cast %multiple_of3A : i32 to index
          %get3A_150 = tpu.vector_load %arg7[%get3A] {strides = array<i32>} : memref<16384xi32, #tpu.memory_space<vmem>>, vector<16xi32>,
          %mul3A_151 = arith.constant 2048 : i32
          %mul3A_152 = arith.muli %add3A_121, %mul3A_151 : i32
          %mul3A_153 = arith.constant 128 : i32
          %mul3A_154 = arith.muli %scan3A_142, %mul3A_153 : i32
          %add3A_155 = arith.addi %mul3A_152, %mul3A_154 : i32
          %add3A_156 = arith.constant 16 : i32
          %add3A_157 = arith.addi %add3A_155, %add3A_156 : i32
          %multiple_of3A_158 = tpu.assume_multiple %add3A_157, 16 : i32
          %get3A_159 = arith.index_cast %multiple_of3A_158 : i32 to index
          %get3A_160 = tpu.vector_load %arg7[%get3A_159] {strides = array<i32>} : memref<16384xi32, #tpu.memory_space<vmem>>, vector<16xi32>,
          %mul3A_161 = arith.constant 2048 : i32
          %mul3A_162 = arith.muli %add3A_121, %mul3A_161 : i32
          %mul3A_163 = arith.constant 128 : i32
          %mul3A_164 = arith.muli %scan3A_142, %mul3A_163 : i32
          %add3A_165 = arith.addi %mul3A_162, %mul3A_164 : i32
          %add3A_166 = arith.constant 32 : i32
          %add3A_167 = arith.addi %add3A_165, %add3A_166 : i32
          %multiple_of3A_168 = tpu.assume_multiple %add3A_167, 16 : i32
          %get3A_169 = arith.index_cast %multiple_of3A_168 : i32 to index
          %get3A_170 = tpu.vector_load %arg7[%get3A_169] {strides = array<i32>} : memref<16384xi32, #tpu.memory_space<vmem>>, vector<16xi32>,
          %mul3A_171 = arith.constant 2048 : i32
          %mul3A_172 = arith.muli %add3A_121, %mul3A_171 : i32
          %mul3A_173 = arith.constant 128 : i32
          %mul3A_174 = arith.muli %scan3A_142, %mul3A_173 : i32
          %add3A_175 = arith.addi %mul3A_172, %mul3A_174 : i32
          %add3A_176 = arith.constant 48 : i32
          %add3A_177 = arith.addi %add3A_175, %add3A_176 : i32
          %multiple_of3A_178 = tpu.assume_multiple %add3A_177, 16 : i32
          %get3A_179 = arith.index_cast %multiple_of3A_178 : i32 to index
          %get3A_180 = tpu.vector_load %arg7[%get3A_179] {strides = array<i32>} : memref<16384xi32, #tpu.memory_space<vmem>>, vector<16xi32>,
          %mul3A_181 = arith.constant 2048 : i32
          %mul3A_182 = arith.muli %add3A_121, %mul3A_181 : i32
          %mul3A_183 = arith.constant 128 : i32
          %mul3A_184 = arith.muli %scan3A_142, %mul3A_183 : i32
          %add3A_185 = arith.addi %mul3A_182, %mul3A_184 : i32
          %add3A_186 = arith.constant 64 : i32
          %add3A_187 = arith.addi %add3A_185, %add3A_186 : i32
          %multiple_of3A_188 = tpu.assume_multiple %add3A_187, 16 : i32
          %get3A_189 = arith.index_cast %multiple_of3A_188 : i32 to index
          %get3A_190 = tpu.vector_load %arg7[%get3A_189] {strides = array<i32>} : memref<16384xi32, #tpu.memory_space<vmem>>, vector<16xi32>,
          %mul3A_191 = arith.constant 2048 : i32
          %mul3A_192 = arith.muli %add3A_121, %mul3A_191 : i32
          %mul3A_193 = arith.constant 128 : i32
          %mul3A_194 = arith.muli %scan3A_142, %mul3A_193 : i32
          %add3A_195 = arith.addi %mul3A_192, %mul3A_194 : i32
          %add3A_196 = arith.constant 80 : i32
          %add3A_197 = arith.addi %add3A_195, %add3A_196 : i32
          %multiple_of3A_198 = tpu.assume_multiple %add3A_197, 16 : i32
          %get3A_199 = arith.index_cast %multiple_of3A_198 : i32 to index
          %get3A_200 = tpu.vector_load %arg7[%get3A_199] {strides = array<i32>} : memref<16384xi32, #tpu.memory_space<vmem>>, vector<16xi32>,
          %mul3A_201 = arith.constant 2048 : i32
          %mul3A_202 = arith.muli %add3A_121, %mul3A_201 : i32
          %mul3A_203 = arith.constant 128 : i32
          %mul3A_204 = arith.muli %scan3A_142, %mul3A_203 : i32
          %add3A_205 = arith.addi %mul3A_202, %mul3A_204 : i32
          %add3A_206 = arith.constant 96 : i32
          %add3A_207 = arith.addi %add3A_205, %add3A_206 : i32
          %multiple_of3A_208 = tpu.assume_multiple %add3A_207, 16 : i32
          %get3A_209 = arith.index_cast %multiple_of3A_208 : i32 to index
          %get3A_210 = tpu.vector_load %arg7[%get3A_209] {strides = array<i32>} : memref<16384xi32, #tpu.memory_space<vmem>>, vector<16xi32>,
          %mul3A_211 = arith.constant 2048 : i32
          %mul3A_212 = arith.muli %add3A_121, %mul3A_211 : i32
          %mul3A_213 = arith.constant 128 : i32
          %mul3A_214 = arith.muli %scan3A_142, %mul3A_213 : i32
          %add3A_215 = arith.addi %mul3A_212, %mul3A_214 : i32
          %add3A_216 = arith.constant 112 : i32
          %add3A_217 = arith.addi %add3A_215, %add3A_216 : i32
          %multiple_of3A_218 = tpu.assume_multiple %add3A_217, 16 : i32
          %get3A_219 = arith.index_cast %multiple_of3A_218 : i32 to index
          %get3A_220 = tpu.vector_load %arg7[%get3A_219] {strides = array<i32>} : memref<16384xi32, #tpu.memory_space<vmem>>, vector<16xi32>,
          %gather3A = tpu.vector_load_idx %arg8[%get3A_150] : memref<100000xf32, #tpu.memory_space<vmem>>[vector<16xi32>], vector<16xf32>,
          %gather3A_221 = tpu.vector_load_idx %arg8[%get3A_160] : memref<100000xf32, #tpu.memory_space<vmem>>[vector<16xi32>], vector<16xf32>,
          %gather3A_222 = tpu.vector_load_idx %arg8[%get3A_170] : memref<100000xf32, #tpu.memory_space<vmem>>[vector<16xi32>], vector<16xf32>,
          %gather3A_223 = tpu.vector_load_idx %arg8[%get3A_180] : memref<100000xf32, #tpu.memory_space<vmem>>[vector<16xi32>], vector<16xf32>,
          %gather3A_224 = tpu.vector_load_idx %arg8[%get3A_190] : memref<100000xf32, #tpu.memory_space<vmem>>[vector<16xi32>], vector<16xf32>,
          %gather3A_225 = tpu.vector_load_idx %arg8[%get3A_200] : memref<100000xf32, #tpu.memory_space<vmem>>[vector<16xi32>], vector<16xf32>,
          %gather3A_226 = tpu.vector_load_idx %arg8[%get3A_210] : memref<100000xf32, #tpu.memory_space<vmem>>[vector<16xi32>], vector<16xf32>,
          %gather3A_227 = tpu.vector_load_idx %arg8[%get3A_220] : memref<100000xf32, #tpu.memory_space<vmem>>[vector<16xi32>], vector<16xf32>,
          %mul3A_228 = arith.constant 128 : i32
          %mul3A_229 = arith.muli %scan3A_142, %mul3A_228 : i32
          %add3A_230 = arith.constant 0 : i32
          %add3A_231 = arith.addi %mul3A_229, %add3A_230 : i32
          %multiple_of3A_232 = tpu.assume_multiple %add3A_231, 16 : i32
          %swap3A = arith.index_cast %multiple_of3A_232 : i32 to index
          %swap3A_233 = tpu.vector_load %arg10[%swap3A] {strides = array<i32>} : memref<2048xf32, #tpu.memory_space<vmem>>, vector<16xf32>,
          tpu.vector_store %arg10[%swap3A], %gather3A {strides = array<i32>} : memref<2048xf32, #tpu.memory_space<vmem>>, vector<16xf32>,
          %mul3A_234 = arith.constant 128 : i32
          %mul3A_235 = arith.muli %scan3A_142, %mul3A_234 : i32
          %add3A_236 = arith.constant 16 : i32
          %add3A_237 = arith.addi %mul3A_235, %add3A_236 : i32
          %multiple_of3A_238 = tpu.assume_multiple %add3A_237, 16 : i32
          %swap3A_239 = arith.index_cast %multiple_of3A_238 : i32 to index
          %swap3A_240 = tpu.vector_load %arg10[%swap3A_239] {strides = array<i32>} : memref<2048xf32, #tpu.memory_space<vmem>>, vector<16xf32>,
          tpu.vector_store %arg10[%swap3A_239], %gather3A_221 {strides = array<i32>} : memref<2048xf32, #tpu.memory_space<vmem>>, vector<16xf32>,
          %mul3A_241 = arith.constant 128 : i32
          %mul3A_242 = arith.muli %scan3A_142, %mul3A_241 : i32
          %add3A_243 = arith.constant 32 : i32
          %add3A_244 = arith.addi %mul3A_242, %add3A_243 : i32
          %multiple_of3A_245 = tpu.assume_multiple %add3A_244, 16 : i32
          %swap3A_246 = arith.index_cast %multiple_of3A_245 : i32 to index
          %swap3A_247 = tpu.vector_load %arg10[%swap3A_246] {strides = array<i32>} : memref<2048xf32, #tpu.memory_space<vmem>>, vector<16xf32>,
          tpu.vector_store %arg10[%swap3A_246], %gather3A_222 {strides = array<i32>} : memref<2048xf32, #tpu.memory_space<vmem>>, vector<16xf32>,
          %mul3A_248 = arith.constant 128 : i32
          %mul3A_249 = arith.muli %scan3A_142, %mul3A_248 : i32
          %add3A_250 = arith.constant 48 : i32
          %add3A_251 = arith.addi %mul3A_249, %add3A_250 : i32
          %multiple_of3A_252 = tpu.assume_multiple %add3A_251, 16 : i32
          %swap3A_253 = arith.index_cast %multiple_of3A_252 : i32 to index
          %swap3A_254 = tpu.vector_load %arg10[%swap3A_253] {strides = array<i32>} : memref<2048xf32, #tpu.memory_space<vmem>>, vector<16xf32>,
          tpu.vector_store %arg10[%swap3A_253], %gather3A_223 {strides = array<i32>} : memref<2048xf32, #tpu.memory_space<vmem>>, vector<16xf32>,
          %mul3A_255 = arith.constant 128 : i32
          %mul3A_256 = arith.muli %scan3A_142, %mul3A_255 : i32
          %add3A_257 = arith.constant 64 : i32
          %add3A_258 = arith.addi %mul3A_256, %add3A_257 : i32
          %multiple_of3A_259 = tpu.assume_multiple %add3A_258, 16 : i32
          %swap3A_260 = arith.index_cast %multiple_of3A_259 : i32 to index
          %swap3A_261 = tpu.vector_load %arg10[%swap3A_260] {strides = array<i32>} : memref<2048xf32, #tpu.memory_space<vmem>>, vector<16xf32>,
          tpu.vector_store %arg10[%swap3A_260], %gather3A_224 {strides = array<i32>} : memref<2048xf32, #tpu.memory_space<vmem>>, vector<16xf32>,
          %mul3A_262 = arith.constant 128 : i32
          %mul3A_263 = arith.muli %scan3A_142, %mul3A_262 : i32
          %add3A_264 = arith.constant 80 : i32
          %add3A_265 = arith.addi %mul3A_263, %add3A_264 : i32
          %multiple_of3A_266 = tpu.assume_multiple %add3A_265, 16 : i32
          %swap3A_267 = arith.index_cast %multiple_of3A_266 : i32 to index
          %swap3A_268 = tpu.vector_load %arg10[%swap3A_267] {strides = array<i32>} : memref<2048xf32, #tpu.memory_space<vmem>>, vector<16xf32>,
          tpu.vector_store %arg10[%swap3A_267], %gather3A_225 {strides = array<i32>} : memref<2048xf32, #tpu.memory_space<vmem>>, vector<16xf32>,
          %mul3A_269 = arith.constant 128 : i32
          %mul3A_270 = arith.muli %scan3A_142, %mul3A_269 : i32
          %add3A_271 = arith.constant 96 : i32
          %add3A_272 = arith.addi %mul3A_270, %add3A_271 : i32
          %multiple_of3A_273 = tpu.assume_multiple %add3A_272, 16 : i32
          %swap3A_274 = arith.index_cast %multiple_of3A_273 : i32 to index
          %swap3A_275 = tpu.vector_load %arg10[%swap3A_274] {strides = array<i32>} : memref<2048xf32, #tpu.memory_space<vmem>>, vector<16xf32>,
          tpu.vector_store %arg10[%swap3A_274], %gather3A_226 {strides = array<i32>} : memref<2048xf32, #tpu.memory_space<vmem>>, vector<16xf32>,
          %mul3A_276 = arith.constant 128 : i32
          %mul3A_277 = arith.muli %scan3A_142, %mul3A_276 : i32
          %add3A_278 = arith.constant 112 : i32
          %add3A_279 = arith.addi %mul3A_277, %add3A_278 : i32
          %multiple_of3A_280 = tpu.assume_multiple %add3A_279, 16 : i32
          %swap3A_281 = arith.index_cast %multiple_of3A_280 : i32 to index
          %swap3A_282 = tpu.vector_load %arg10[%swap3A_281] {strides = array<i32>} : memref<2048xf32, #tpu.memory_space<vmem>>, vector<16xf32>,
          tpu.vector_store %arg10[%swap3A_281], %gather3A_227 {strides = array<i32>} : memref<2048xf32, #tpu.memory_space<vmem>>, vector<16xf32>,
        }
        %scan3A_135 = arith.constant 16 : i32
        %mul3A_136 = arith.constant 2048 : i32
        %mul3A_137 = arith.muli %add3A_121, %mul3A_136 : i32
        %dma_start3A_138 = tpu.memref_slice %arg5[%add3A_60, %mul3A_137] : memref<1000x16384xf32, #tpu.memory_space<hbm>> -> memref<1x2048xf32, #tpu.memory_space<hbm>>
        %dma_start3A_139 = tpu.memref_squeeze %dma_start3A_138 : memref<1x2048xf32, #tpu.memory_space<hbm>> -> memref<2048xf32, #tpu.memory_space<hbm>>
        %dma_start3A_140 = tpu.memref_slice %arg5[%add3A_60, %mul3A_137] : memref<1000x16384xf32, #tpu.memory_space<hbm>> -> memref<1x2048xf32, #tpu.memory_space<hbm>>
        %dma_start3A_141 = tpu.memref_squeeze %dma_start3A_140 : memref<1x2048xf32, #tpu.memory_space<hbm>> -> memref<2048xf32, #tpu.memory_space<hbm>>
        tpu.enqueue_dma source(%arg10 : memref<2048xf32, #tpu.memory_space<vmem>>) target(%dma_start3A_141 : memref<2048xf32, #tpu.memory_space<hbm>>) target_semaphore(%arg16 : memref<!tpu.dma_semaphore, #tpu.memory_space<semaphore_mem>>)
      }
      %scan3A_85 = arith.constant 4 : i32
      %dma_wait3A_86 = tpu.memref_slice %arg7[%add3A_70] : memref<16384xi32, #tpu.memory_space<vmem>> -> memref<16xi32, #tpu.memory_space<vmem>>
      %dma_wait3A_87 = arith.constant 0 : i32
      %dma_wait3A_88 = arith.constant 0 : i32
      %dma_wait3A_89 = tpu.memref_slice %arg4[%dma_wait3A_87, %dma_wait3A_88] : memref<100000x512xf32, #tpu.memory_space<hbm>> -> memref<100000x512xf32, #tpu.memory_space<hbm>>
      tpu.wait_indirect_dma semaphore(%arg13 : memref<!tpu.dma_semaphore, #tpu.memory_space<semaphore_mem>>) src(%dma_wait3A_89 : memref<100000x512xf32, #tpu.memory_space<hbm>>) dst(%arg11 : memref<16x512xf32, #tpu.memory_space<vmem>>)
      %dma_start3A_90 = arith.constant 0 : i32
      %dma_start3A_91 = tpu.memref_slice %arg6[%add3A_70, %dma_start3A_90] : memref<16384x512xf32, #tpu.memory_space<hbm>> -> memref<16x512xf32, #tpu.memory_space<hbm>>
      %dma_start3A_92 = arith.constant 0 : i32
      %dma_start3A_93 = tpu.memref_slice %arg6[%add3A_70, %dma_start3A_92] : memref<16384x512xf32, #tpu.memory_space<hbm>> -> memref<16x512xf32, #tpu.memory_space<hbm>>
      tpu.enqueue_dma source(%arg11 : memref<16x512xf32, #tpu.memory_space<vmem>>) target(%dma_start3A_93 : memref<16x512xf32, #tpu.memory_space<hbm>>) target_semaphore(%arg14 : memref<!tpu.dma_semaphore, #tpu.memory_space<semaphore_mem>>)
    }
    %while3A_32 = arith.constant 0 : i32
    %while3A_33 = arith.constant 32 : i32
    %while3A_34 = arith.subi %while3A_33, %add3A_22 : i32
    %while3A_35 = arith.addi %add3A_22, %while3A_34 : i32
    %while3A_36 = arith.constant 1 : i32
    %while3A_37 = arith.divsi %while3A_34, %while3A_36 : i32
    %while3A_38 = arith.muli %while3A_37, %while3A_36 : i32
    %while3A_39 = arith.addi %add3A_22, %while3A_38 : i32
    %while3A_40 = arith.constant 1 : i32
    scf.for %while3A_57 = %add3A_22 to %while3A_39 step %while3A_40  : i32 {
      %dma_wait3A_58 = arith.constant 0 : i32
      %dma_wait3A_59 = tpu.memref_slice %arg6[%mul3A_2, %dma_wait3A_58] : memref<16384x512xf32, #tpu.memory_space<hbm>> -> memref<16x512xf32, #tpu.memory_space<hbm>>
      %dma_wait3A_60 = arith.constant 0 : i32
      %dma_wait3A_61 = tpu.memref_slice %arg6[%mul3A_2, %dma_wait3A_60] : memref<16384x512xf32, #tpu.memory_space<hbm>> -> memref<16x512xf32, #tpu.memory_space<hbm>>
      tpu.wait_dma2 semaphore(%arg14 : memref<!tpu.dma_semaphore, #tpu.memory_space<semaphore_mem>>) src(%arg11 : memref<16x512xf32, #tpu.memory_space<vmem>>) dst(%dma_wait3A_61 : memref<16x512xf32, #tpu.memory_space<hbm>>)
      %mul3A_62 = arith.constant 16 : i32
      %mul3A_63 = arith.muli %while3A_57, %mul3A_62 : i32
      %add3A_64 = arith.addi %mul3A_2, %mul3A_63 : i32
      %dma_start3A = tpu.memref_slice %arg7[%add3A_64] : memref<16384xi32, #tpu.memory_space<vmem>> -> memref<16xi32, #tpu.memory_space<vmem>>
      %dma_start3A_65 = arith.constant 0 : i32
      %dma_start3A_66 = arith.constant 0 : i32
      %dma_start3A_67 = tpu.memref_slice %arg4[%dma_start3A_65, %dma_start3A_66] : memref<100000x512xf32, #tpu.memory_space<hbm>> -> memref<100000x512xf32, #tpu.memory_space<hbm>>
      tpu.enqueue_indirect_dma source(%dma_start3A_67 : memref<100000x512xf32, #tpu.memory_space<hbm>>) target(%arg11 : memref<16x512xf32, #tpu.memory_space<vmem>>) offsets(%dma_start3A : memref<16xi32, #tpu.memory_space<vmem>>) semaphore(%arg13 : memref<!tpu.dma_semaphore, #tpu.memory_space<semaphore_mem>>)
      %dma_wait3A_68 = tpu.memref_slice %arg7[%add3A_64] : memref<16384xi32, #tpu.memory_space<vmem>> -> memref<16xi32, #tpu.memory_space<vmem>>
      %dma_wait3A_69 = arith.constant 0 : i32
      %dma_wait3A_70 = arith.constant 0 : i32
      %dma_wait3A_71 = tpu.memref_slice %arg4[%dma_wait3A_69, %dma_wait3A_70] : memref<100000x512xf32, #tpu.memory_space<hbm>> -> memref<100000x512xf32, #tpu.memory_space<hbm>>
      tpu.wait_indirect_dma semaphore(%arg13 : memref<!tpu.dma_semaphore, #tpu.memory_space<semaphore_mem>>) src(%dma_wait3A_71 : memref<100000x512xf32, #tpu.memory_space<hbm>>) dst(%arg11 : memref<16x512xf32, #tpu.memory_space<vmem>>)
      %dma_start3A_72 = arith.constant 0 : i32
      %dma_start3A_73 = tpu.memref_slice %arg6[%add3A_64, %dma_start3A_72] : memref<16384x512xf32, #tpu.memory_space<hbm>> -> memref<16x512xf32, #tpu.memory_space<hbm>>
      %dma_start3A_74 = arith.constant 0 : i32
      %dma_start3A_75 = tpu.memref_slice %arg6[%add3A_64, %dma_start3A_74] : memref<16384x512xf32, #tpu.memory_space<hbm>> -> memref<16x512xf32, #tpu.memory_space<hbm>>
      tpu.enqueue_dma source(%arg11 : memref<16x512xf32, #tpu.memory_space<vmem>>) target(%dma_start3A_75 : memref<16x512xf32, #tpu.memory_space<hbm>>) target_semaphore(%arg14 : memref<!tpu.dma_semaphore, #tpu.memory_space<semaphore_mem>>)
    }
    %while3A_41 = arith.constant 1 : i32
    scf.for %while3A_57 = %while3A_39 to %while3A_35 step %while3A_41  : i32 {
      %dma_wait3A_58 = arith.constant 0 : i32
      %dma_wait3A_59 = tpu.memref_slice %arg6[%mul3A_2, %dma_wait3A_58] : memref<16384x512xf32, #tpu.memory_space<hbm>> -> memref<16x512xf32, #tpu.memory_space<hbm>>
      %dma_wait3A_60 = arith.constant 0 : i32
      %dma_wait3A_61 = tpu.memref_slice %arg6[%mul3A_2, %dma_wait3A_60] : memref<16384x512xf32, #tpu.memory_space<hbm>> -> memref<16x512xf32, #tpu.memory_space<hbm>>
      tpu.wait_dma2 semaphore(%arg14 : memref<!tpu.dma_semaphore, #tpu.memory_space<semaphore_mem>>) src(%arg11 : memref<16x512xf32, #tpu.memory_space<vmem>>) dst(%dma_wait3A_61 : memref<16x512xf32, #tpu.memory_space<hbm>>)
      %mul3A_62 = arith.constant 16 : i32
      %mul3A_63 = arith.muli %while3A_57, %mul3A_62 : i32
      %add3A_64 = arith.addi %mul3A_2, %mul3A_63 : i32
      %dma_start3A = tpu.memref_slice %arg7[%add3A_64] : memref<16384xi32, #tpu.memory_space<vmem>> -> memref<16xi32, #tpu.memory_space<vmem>>
      %dma_start3A_65 = arith.constant 0 : i32
      %dma_start3A_66 = arith.constant 0 : i32
      %dma_start3A_67 = tpu.memref_slice %arg4[%dma_start3A_65, %dma_start3A_66] : memref<100000x512xf32, #tpu.memory_space<hbm>> -> memref<100000x512xf32, #tpu.memory_space<hbm>>
      tpu.enqueue_indirect_dma source(%dma_start3A_67 : memref<100000x512xf32, #tpu.memory_space<hbm>>) target(%arg11 : memref<16x512xf32, #tpu.memory_space<vmem>>) offsets(%dma_start3A : memref<16xi32, #tpu.memory_space<vmem>>) semaphore(%arg13 : memref<!tpu.dma_semaphore, #tpu.memory_space<semaphore_mem>>)
      %dma_wait3A_68 = tpu.memref_slice %arg7[%add3A_64] : memref<16384xi32, #tpu.memory_space<vmem>> -> memref<16xi32, #tpu.memory_space<vmem>>
      %dma_wait3A_69 = arith.constant 0 : i32
      %dma_wait3A_70 = arith.constant 0 : i32
      %dma_wait3A_71 = tpu.memref_slice %arg4[%dma_wait3A_69, %dma_wait3A_70] : memref<100000x512xf32, #tpu.memory_space<hbm>> -> memref<100000x512xf32, #tpu.memory_space<hbm>>
      tpu.wait_indirect_dma semaphore(%arg13 : memref<!tpu.dma_semaphore, #tpu.memory_space<semaphore_mem>>) src(%dma_wait3A_71 : memref<100000x512xf32, #tpu.memory_space<hbm>>) dst(%arg11 : memref<16x512xf32, #tpu.memory_space<vmem>>)
      %dma_start3A_72 = arith.constant 0 : i32
      %dma_start3A_73 = tpu.memref_slice %arg6[%add3A_64, %dma_start3A_72] : memref<16384x512xf32, #tpu.memory_space<hbm>> -> memref<16x512xf32, #tpu.memory_space<hbm>>
      %dma_start3A_74 = arith.constant 0 : i32
      %dma_start3A_75 = tpu.memref_slice %arg6[%add3A_64, %dma_start3A_74] : memref<16384x512xf32, #tpu.memory_space<hbm>> -> memref<16x512xf32, #tpu.memory_space<hbm>>
      tpu.enqueue_dma source(%arg11 : memref<16x512xf32, #tpu.memory_space<vmem>>) target(%dma_start3A_75 : memref<16x512xf32, #tpu.memory_space<hbm>>) target_semaphore(%arg14 : memref<!tpu.dma_semaphore, #tpu.memory_space<semaphore_mem>>)
    }
    %dma_wait3A = arith.constant 0 : i32
    %dma_wait3A_42 = tpu.memref_slice %arg6[%mul3A_2, %dma_wait3A] : memref<16384x512xf32, #tpu.memory_space<hbm>> -> memref<16x512xf32, #tpu.memory_space<hbm>>
    %dma_wait3A_43 = arith.constant 0 : i32
    %dma_wait3A_44 = tpu.memref_slice %arg6[%mul3A_2, %dma_wait3A_43] : memref<16384x512xf32, #tpu.memory_space<hbm>> -> memref<16x512xf32, #tpu.memory_space<hbm>>
    tpu.wait_dma2 semaphore(%arg14 : memref<!tpu.dma_semaphore, #tpu.memory_space<semaphore_mem>>) src(%arg11 : memref<16x512xf32, #tpu.memory_space<vmem>>) dst(%dma_wait3A_44 : memref<16x512xf32, #tpu.memory_space<hbm>>)
    %dma_wait3A_45 = arith.constant 0 : i32
    %dma_wait3A_46 = tpu.memref_slice %arg5[%add3A, %dma_wait3A_45] : memref<1000x16384xf32, #tpu.memory_space<hbm>> -> memref<1x2048xf32, #tpu.memory_space<hbm>>
    %dma_wait3A_47 = tpu.memref_squeeze %dma_wait3A_46 : memref<1x2048xf32, #tpu.memory_space<hbm>> -> memref<2048xf32, #tpu.memory_space<hbm>>
    %dma_wait3A_48 = arith.constant 0 : i32
    %dma_wait3A_49 = tpu.memref_slice %arg5[%add3A, %dma_wait3A_48] : memref<1000x16384xf32, #tpu.memory_space<hbm>> -> memref<1x2048xf32, #tpu.memory_space<hbm>>
    %dma_wait3A_50 = tpu.memref_squeeze %dma_wait3A_49 : memref<1x2048xf32, #tpu.memory_space<hbm>> -> memref<2048xf32, #tpu.memory_space<hbm>>
    tpu.wait_dma2 semaphore(%arg15 : memref<!tpu.dma_semaphore, #tpu.memory_space<semaphore_mem>>) src(%arg9 : memref<2048xf32, #tpu.memory_space<vmem>>) dst(%dma_wait3A_50 : memref<2048xf32, #tpu.memory_space<hbm>>)
    %dma_wait3A_51 = arith.constant 0 : i32
    %dma_wait3A_52 = tpu.memref_slice %arg5[%add3A, %dma_wait3A_51] : memref<1000x16384xf32, #tpu.memory_space<hbm>> -> memref<1x2048xf32, #tpu.memory_space<hbm>>
    %dma_wait3A_53 = tpu.memref_squeeze %dma_wait3A_52 : memref<1x2048xf32, #tpu.memory_space<hbm>> -> memref<2048xf32, #tpu.memory_space<hbm>>
    %dma_wait3A_54 = arith.constant 0 : i32
    %dma_wait3A_55 = tpu.memref_slice %arg5[%add3A, %dma_wait3A_54] : memref<1000x16384xf32, #tpu.memory_space<hbm>> -> memref<1x2048xf32, #tpu.memory_space<hbm>>
    %dma_wait3A_56 = tpu.memref_squeeze %dma_wait3A_55 : memref<1x2048xf32, #tpu.memory_space<hbm>> -> memref<2048xf32, #tpu.memory_space<hbm>>
    tpu.wait_dma2 semaphore(%arg16 : memref<!tpu.dma_semaphore, #tpu.memory_space<semaphore_mem>>) src(%arg10 : memref<2048xf32, #tpu.memory_space<vmem>>) dst(%dma_wait3A_56 : memref<2048xf32, #tpu.memory_space<hbm>>)
    return
  }
}

</mosaic_0001>

<sc_bundles>
// kernel: kernel.3.cloned.1.call-start
scs
__scs_entry_jumppad:
0x0: {  	(pc) =	sbr.rel $0x88, $3  }
0x1: {  	(tag) =	ssettag $0x0;
	lr =	simm.s32 $0x1  }
0x2: {  	[smem:$0x3F9E] =	sst lr;
	_ =	strace $0xD0000000  }
0x3: {  	_ = 	snop  }
0x4: {  	_ = 	snop  }
0x5: {  	_ = 	snop  }
0x6: {  	_ = 	snop  }
0x7: {  	_ = 	snop  }
__scs_overlays_trampoline_lowered:
0x8: {  	[smem:$0x3FAD] =	sst s0  }
0x9: {  	[smem:$0x3FAE] =	sst s1  }
0xa: {  	[smem:$0x3FAF] =	sst s2  }
0xb: {  	[smem:$0x3FB0] =	sst s3  }
0xc: {  	[smem:$0x3FB1] =	sst s4  }
0xd: {  	[smem:$0x3FB2] =	sst s5  }
0xe: {  	[smem:$0x3FB3] =	sst s6  }
0xf: {  	[smem:$0x3FB4] =	sst s7  }
0x10: {  	[smem:$0x3FB5] =	sst s8  }
0x11: {  	[smem:$0x3FB6] =	sst s9;
	s0 =	simm.s32 @!p0 $0x0  }
0x12: {  	s1 =	sld [smem:$0x3F9C];
	s0 =	simm.s32 @p0 $0x1  }
0x13: {  	[smem:$0x3FB7] =	sst s0;
	s0 =	simm.s32 @!p1 $0x0  }
0x14: {  	s2 =	sld [smem:$0x3F9B];
	s0 =	simm.s32 @p1 $0x1  }
0x15: {  	[smem:$0x3FB8] =	sst s0;
	s0 =	simm.s32 @!p2 $0x0  }
0x16: {  	s3 =	sld [smem:$0x3FDB];
	s0 =	simm.s32 @p2 $0x1  }
0x17: {  	s4 =	simm.s32 $0x1BF5;
	[smem:$0x3FBA] =	sst s0  }
0x18: {  	s0 =	sld [smem:$0x3F9D];
	_ =	swait.ge [sflag:s4], $0x0  }
0x19: {  	s7 =	sld [smem:$0x3F9E]  }
0x1a: {  	s8 =	sadd.s32 $0xFFFFE003, lr  }
0x1b: {  	s9 =	sadd.s32 $0xFFFFFEF7, lr;
	s5 =	simm.s32 $0xFFFFFFFF;
	p2 =	slt.u32 s8, $0xFFFFF086  }
0x1c: {  	p1 =	slt.u32 s9, $0xF7A;
	s5 =	simm.s32 @!p2 $0x0  }
0x1d: {  	s5 =	simm.s32 @p1 $0x1;
	p0 =	seq.s32 s7, s2  }
0x1e: {  	s7 =	smul.u32 @!p0 $0xF7A, s2;
	p2 =	seq.s32 @!p0 s5, $0x0  }
0x1f: {  	s9 =	smul.u32 $0xF7A, s1;
	s8 =	simm.s32 @!p0 $0x1BF5;
	p2 =	por !p2, p0  }
0x20: {  	[sflag:s8] =	ssyncset.s32 @!p0 $0xFFFFF086;
	s6 =	sadd.s32 @!p0 s3, s7;
	s7 =	simm.s32 @!p0 $0x108  }
0x21: {  	s3 =	sadd.s32 s3, s9;
	s6 =	sadd.s32 @!p0 $0x88, s6;
	s7 =	simm.s32 @p2 $0x1082  }
0x22: {  	[simem:s7], [sflag:s8] =	dma.local @!p0 [hbm:s6], $0xF7A  }
0x23: {  	s9 =	sor.u32 $0xD0000000, s2;
	s6 =	simm.s32 $0x108;
	_ =	swait.ge @!p0 [sflag:s8], $0x0  }
0x24: {  	s3 =	sadd.s32 $0x88, s3;
	s6 =	simm.s32 @!p1 $0x1082;
	[sflag:s4] =	ssyncset.s32 $0xFFFFF086  }
0x25: {  	[simem:s6], [sflag:s4] =	dma.local [hbm:s3], $0xF7A  }
0x26: {  	[smem:$0x3F9E] =	sst s1;
	(tag) =	ssettag s2;
	_ =	strace s9  }
0x27: {  	s1 =	sld [smem:$0x3FAE]  }
0x28: {  	s2 =	sld [smem:$0x3FAF]  }
0x29: {  	s4 =	sld [smem:$0x3FB1]  }
0x2a: {  	p0 =	seq.s32 s5, $0x0;
	s5 =	sld [smem:$0x3FB2]  }
0x2b: {  	s6 =	sld [smem:$0x3FB3]  }
0x2c: {  	s7 =	sld [smem:$0x3FB4]  }
0x2d: {  	s3 =	simm.s32 $0x108;
	s8 =	sld [smem:$0x3FB5]  }
0x2e: {  	s3 =	simm.s32 @!p0 $0x1082;
	s9 =	sld [smem:$0x3FB6]  }
0x2f: {  	lr =	sadd.s32 s0, s3;
	s0 =	sld [smem:$0x3FAD]  }
0x30: {  	s3 =	sld [smem:$0x3FB0]  }
0x31: {  	[smem:$0x3FB9] =	sst s10  }
0x32: {  	s10 =	sld [smem:$0x3FB7];
	_ =	sdelay $0x3  }
0x33: {  	p0 =	seq.s32 s10, $0x1;
	s10 =	sld [smem:$0x3FB9];
	_ =	sdelay $0x3  }
0x34: {  	[smem:$0x3FB9] =	sst s10  }
0x35: {  	s10 =	sld [smem:$0x3FB8];
	_ =	sdelay $0x3  }
0x36: {  	p1 =	seq.s32 s10, $0x1;
	s10 =	sld [smem:$0x3FB9];
	_ =	sdelay $0x3  }
0x37: {  	[smem:$0x3FB9] =	sst s10  }
0x38: {  	s10 =	sld [smem:$0x3FBA]  }
0x39: {  	_ = 	snop;
	(pc) =	sbr.ind lr, $3  }
0x3a: {  	_ = 	snop  }
0x3b: {  	_ = 	snop  }
0x3c: {  	p2 =	seq.s32 s10, $0x1;
	s10 =	sld [smem:$0x3FB9]  }
0x3d: {  	_ =	shalt  }
0x3e: {  	_ =	shalt  }
0x3f: {  	_ =	shalt  }
0x40: {  	_ =	shalt  }
0x41: {  	_ =	shalt  }
0x42: {  	_ =	shalt  }
0x43: {  	_ =	shalt  }
0x44: {  	_ =	shalt  }
0x45: {  	_ =	shalt  }
0x46: {  	_ =	shalt  }
0x47: {  	_ =	shalt  }
0x48: {  	_ =	shalt  }
0x49: {  	_ =	shalt  }
0x4a: {  	_ =	shalt  }
0x4b: {  	_ =	shalt  }
0x4c: {  	_ =	shalt  }
0x4d: {  	_ =	shalt  }
0x4e: {  	_ =	shalt  }
0x4f: {  	_ =	shalt  }
0x50: {  	_ =	shalt  }
0x51: {  	_ =	shalt  }
0x52: {  	_ =	shalt  }
0x53: {  	_ =	shalt  }
0x54: {  	_ =	shalt  }
0x55: {  	_ =	shalt  }
0x56: {  	_ =	shalt  }
0x57: {  	_ =	shalt  }
0x58: {  	_ =	shalt  }
0x59: {  	_ =	shalt  }
0x5a: {  	_ =	shalt  }
0x5b: {  	_ =	shalt  }
0x5c: {  	_ =	shalt  }
0x5d: {  	_ =	shalt  }
0x5e: {  	_ =	shalt  }
0x5f: {  	_ =	shalt  }
0x60: {  	_ =	shalt  }
0x61: {  	_ =	shalt  }
0x62: {  	_ =	shalt  }
0x63: {  	_ =	shalt  }
0x64: {  	_ =	shalt  }
0x65: {  	_ =	shalt  }
0x66: {  	_ =	shalt  }
0x67: {  	_ =	shalt  }
0x68: {  	_ =	shalt  }
0x69: {  	_ =	shalt  }
0x6a: {  	_ =	shalt  }
0x6b: {  	_ =	shalt  }
0x6c: {  	_ =	shalt  }
0x6d: {  	_ =	shalt  }
0x6e: {  	_ =	shalt  }
0x6f: {  	_ =	shalt  }
0x70: {  	_ =	shalt  }
0x71: {  	_ =	shalt  }
0x72: {  	_ =	shalt  }
0x73: {  	_ =	shalt  }
0x74: {  	_ =	shalt  }
0x75: {  	_ =	shalt  }
0x76: {  	_ =	shalt  }
0x77: {  	_ =	shalt  }
0x78: {  	_ =	shalt  }
0x79: {  	_ =	shalt  }
0x7a: {  	_ =	shalt  }
0x7b: {  	_ =	shalt  }
0x7c: {  	_ =	shalt  }
0x7d: {  	_ =	shalt  }
0x7e: {  	_ =	shalt  }
0x7f: {  	_ =	shalt  }
0x80: {  	_ =	shalt  }
0x81: {  	_ =	shalt  }
0x82: {  	_ =	shalt  }
0x83: {  	_ =	shalt  }
0x84: {  	_ =	shalt  }
0x85: {  	_ =	shalt  }
0x86: {  	_ =	shalt  }
0x87: {  	_ =	shalt  }
.Lfunc_end0:
.L_simem_size_0:
called_computation_lowered:
.L_overlay_start_0:
0x88: {  	s2 =	sld [smem:$0x3FD9]  }
0x89: {  	s3 =	sld [smem:$0x3FFE];
	_ =	sdelay $0x1  }
0x8a: {  	s1 =	srdreg.scid  }
0x8b: {  	s0 =	sand.u32 $0x1, s1  }
0x8c: {  	s15 =	sshll.u32 s0, $0xA;
	s2 =	sadd.s32 s3, s2  }
0x8d: {  	s2 =	sadd.s32 s2, s15  }
0x8e: {  	[smem:$0x3FC5] =	sst s2  }
0x8f: {  	_ = 	snop  }
0x90: {  	s2 =	sld [smem:$0x3FD0]  }
0x91: {  	s16 =	sld [smem:$0x3FC9]  }
0x92: {  	s4 =	sld [smem:$0x3FC8]  }
0x93: {  	s6 =	simm.s32 $0xA;
	s7 =	simm.s32 $0x10;
	s5 =	sld [smem:$0x3FC7]  }
0x94: {  	[smem:s7], [sflag:s6] =	dma.local [hbm:s2], $0x1  }
0x95: {  	_ =	swait.eq [sflag:s6], $0x1  }
0x96: {  	[sflag:s6] =	ssyncset.done $0x0  }
0x97: {  	s17 =	sld [smem:$0x10];
	[sflag:s6] =	ssyncadd.s32 $0xFFFFFFFF  }
0x98: {  	s18 =	sld [smem:$0x11];
	(tm) =	ssettm $0x1  }
0x99: {  	s19 =	sld [smem:$0x3FFB];
	_ =	sdelay $0x3  }
0x9a: {  	_ =	strace s19  }
0x9b: {  	s7 =	sld [smem:$0x3FFC];
	_ =	sdelay $0x3  }
0x9c: {  	_ =	strace s7  }
0x9d: {  	s7 =	sld [smem:$0x3FFD];
	_ =	sdelay $0x3  }
0x9e: {  	_ =	strace s7  }
0x9f: {  	_ =	strace $0x8FFFFFFF  }
0xa0: {  	s20 =	sld [smem:$0x3FDB];
	_ =	sdelay $0x1  }
0xa1: {  	s8 =	simm.s32 $_scs_section_size  }
0xa2: {  	s9 =	simm.s32 $_size__tile_overlayer_lowered;
	s10 =	simm.s32 $_tile_overlayer_lowered  }
0xa3: {  	s23 =	simm.s32 $0x1BFF;
	s22 =	sshll.u32 s10, $0x1;
	s7 =	sadd.s32 s8, s20  }
0xa4: {  	s11 =	simm.s32 $0x0;
	s21 =	sshll.u32 s9, $0x1;
	s9 =	sadd.s32 s22, s7  }
0xa5: {  	[timem:s11], [sflag:s23] =	dma.local [hbm:s9], s21  }
0xa6: {  	_ =	swait.ge [sflag:s23], s21  }
0xa7: {  	s8 =	ssub.s32 $0x0, s21;
	[sflag:s23] =	ssyncset.done $0x0  }
0xa8: {  	[sflag:s23] =	ssyncadd.s32 s8;
	_ =	sdelay $0x1  }
0xa9: {  	s24 =	simm.s32 $0x1B8B  }
0xaa: {  	_ =	swait.ge [sflag:s24], $0x1  }
0xab: {  	[sflag:s24] =	ssyncset.done $0x0  }
0xac: {  	s25 =	simm.s32 $0x1B8E;
	[sflag:s24] =	ssyncadd.s32 $0xFFFFFFFF  }
0xad: {  	s26 =	simm.s32 $execute0_lowered;
	[smem:$0x3FD2] =	sst s25  }
0xae: {  	s8 =	sshll.u32 s26, $0x1;
	_ =	strace $0x80000046;
	[dreg:$0x1] =	wrdreg $0xFFFFFFFF  }
0xaf: {  	s28 =	simm.s32 $_size_execute0_lowered;
	s7 =	sadd.s32 s7, s8;
	[dreg:$0x0] =	wrdreg $0x0  }
0xb0: {  	s8 =	sshll.u32 s28, $0x1;
	[dreg:$0x2] =	wrdreg s7  }
0xb1: {  	[dreg:$0x3] =	wrdreg s8  }
0xb2: {  	[dreg:$0x4] =	wrdreg $0xC0  }
0xb3: {  	_ =	task [dreg:s11], $0x5FFFF  }
0xb4: {  	[dreg:$0x1] =	wrdreg $0xFFFFFFFF  }
0xb5: {  	[dreg:$0x0] =	wrdreg $0x60  }
0xb6: {  	[dreg:$0x2] =	wrdreg s16  }
0xb7: {  	[dreg:$0x3] =	wrdreg s4  }
0xb8: {  	[dreg:$0x4] =	wrdreg s5  }
0xb9: {  	[dreg:$0x5] =	wrdreg s17  }
0xba: {  	[dreg:$0x6] =	wrdreg s18  }
0xbb: {  	[dreg:$0x7] =	wrdreg $0x9  }
0xbc: {  	_ =	task.clear_ibuf [dreg:s11], $0x8FFFF;
	_ =	strace $0x90000046  }
0xbd: {  	s29 =	simm.s32 $0x9;
	_ =	strace $0x80000048  }
0xbe: {  	_ =	swait.ge [sflag:s29], $0x1  }
0xbf: {  	[sflag:s29] =	ssyncadd.s32 $0xFFFFFFFF  }
0xc0: {  	_ =	strace $0x90000048  }
0xc1: {  	_ =	sfence  }
0xc2: {  	s30 =	sld [smem:$0x0];
	_ =	sdelay $0x2  }
0xc3: {  	s31 =	sshll.u32 s1, $0xD;
	s1 =	sshrl.u32 s1, $0x2  }
0xc4: {  	s3 =	sand.u32 $0x4000, s31;
	s1 =	sadd.s32 s1, s30  }
0xc5: {  	s0 =	sor.u32 s3, s0;
	s1 =	sshll.u32 s1, $0x11  }
0xc6: {  	s0 =	sor.u32 s1, s0  }
0xc7: {  	s0 =	sadd.s32 $0x8F2B, s0  }
0xc8: {  	[sflag:s0] =	ssyncadd.remote.s32 $0x1  }
0xc9: {  	_ =	sfence.sel $0xFFFF  }
0xca: {  	[dreg:$0x0] =	wrdreg $0xFFFFFFFF;
	(pc) =	sbr.abs _section_cstart, $3  }
0xcb: {  	[dreg:$0x1] =	wrdreg $0xFFFFFFFF  }
0xcc: {  	_ =	task.clear_ibuf [dreg:s11], $0x2FFFF;
	_ =	strace $0x9FFFFFFF  }
0xcd: {  	(tm) =	ssettm $0x7FFFFFFF  }
tec
execute0_lowered:
.L_overlay_start_1:
0x0: {  	(tag) =	ssettag $0x1  }
0x1: {  	s2 =	rddreg [dreg:$0x1]  }
0x2: {  	s3 =	rddreg [dreg:$0x2]  }
0x3: {  	s5 =	rddreg [dreg:$0x3]  }
0x4: {  	s6 =	rddreg [dreg:$0x4];
	s0 =	srdreg.scid  }
0x5: {  	s10 =	stileid.u32;
	s7 =	simm.s32 $0x0;
	s17 =	simm.s32 $0x80  }
0x6: {  	s18 =	simm.s32 $0x400;
	s19 =	simm.s32 $0x4000;
	s20 =	simm.s32 $0x1D700  }
0x7: {  	s21 =	simm.s32 $0x1DF00;
	s22 =	simm.s32 $0x1E700;
	s23 =	simm.s32 $0x1EF00  }
0x8: {  	s24 =	simm.s32 $0x1;
	s25 =	simm.s32 $0x1C700;
	s26 =	simm.s32 $0x1CF00  }
0x9: {  	s28 =	simm.s32 $0x2;
	s0 =	sand.u32 $0x1, s0;
	s8 =	sshll.u32 s10, $0x1  }
0xa: {  	[smem:$0x7FF] =	sst s7;
	p0 =	slt.u32 s10, $0x4;
	s1 =	ssub.s32 $0x2, s0  }
0xb: {  	s0 =	sor.u32 s0, s8;
	_ =	strace $0x80000047;
	s4 =	sshrl.u32 s1, $0x1  }
0xc: {  	s9 =	sshll.u32 s0, $0x9;
	s29 =	sshll.u32 s0, $0x7;
	s0 =	ssub.s32 $0x3E7, s0  }
0xd: {  	s1 =	ssub.s32 s1, s4;
	s12 =	sor.u32 $0x1F0, s9;
	s11 =	sand.u32 $0x380, s29  }
0xe: {  	v2 =	vlaneseq.u32;
	vm0 =	vmmov $0xffff;
	[dreg:$0x6] =	wrdreg s12;
	s30 =	sshll.u32 s12, $0x6;
	s31 =	smax.u32 s1, $0x1  }
0xf: {  	v1 =	vshrl.u32 v2, $0x3;
	v0 =	vand.u32 $0x7, v2;
	v2 =	vor.u32 $0x8, v2;
	s14 =	sshrl.u32 s0, $0x5;
	s4 =	sadd.s32 s6, s30;
	[dreg:$0x8] =	wrdreg s31  }
0x10: {  	v1 =	vmul.u32 $0x8, v1;
	vm1 =	vmmov @!p0 $0xffff;
	v3 =	vmov s9;
	s0 =	simm.s32 $0x0;
	s12 =	sadd.s32 $0x100, s3;
	[dreg:$0x7] =	wrdreg s4  }
.LBB2_1:
0x11: {  	s1 =	rddreg [dreg:$0x0];
	s31 =	simm.s32 $0x6  }
0x12: {  	[tilespmem:s7], [sflag:$0x6] =	stream.linear.gather [hbm4b:s1+s7], $0x4000, $0x38;
	[tilespmem:$0x1F700] =	vst v63  }
0x13: {  	_ =	swait.ge [sflag:s31], $0x4000  }
0x14: {  	[sflag:s31] =	ssyncset.done $0x0  }
0x15: {  	s4 =	simm.s32 $0x0;
	[sflag:s31] =	ssyncadd.s32 $0xFFFFC000  }
.LBB2_2:
0x16: {  	s1 =	sshll.u32 s4, $0x5  }
0x17: {  	s1 =	sor.u32 s8, s1  }
0x18: {  	s10 =	sshrl.u32 s1, $0x3  }
0x19: {  	s1 =	smul.u32 $0xC3800, s10;
	_ =	sdelay $0x1  }
0x1a: {  	s1 =	sor.u32 s11, s1  }
0x1b: {  	s1 =	sshrl.u32 s1, $0x3  }
0x1c: {  	p1 =	seq.s32 s4, $0x0;
	s1 =	sadd.s32 s2, s1  }
0x1d: {  	[tilespmem:s19], [sflag:$0x1] =	stream.strided.gather [hbm4b:s1+s17], $0x18700, s18, s17, $0x38;
	[tilespmem:$0x1F700] =	vst v63  }
0x1e: {  	s1 =	simm.s32 @!p1 $0x3  }
0x1f: {  	_ =	swait.ge @!p1 [sflag:s1], $0x2000  }
0x20: {  	[sflag:s1] =	ssyncset.done @!p1 $0x0  }
0x21: {  	s13 =	sshll.u32 s4, $0x4;
	[sflag:s1] =	ssyncadd.s32 @!p1 $0xFFFFE000  }
0x22: {  	v4 =	vld.idx.msk [tilespmem:v3+s13+$0x0 ss:$0x1], $0xffff;
	_ =	sdelay $0x4  }
0x23: {  	v5 =	vshll.u32 v4, $0x2  }
0x24: {  	v4 =	vand.u32 $0x7, v4;
	v5 =	vand.u32 $0xFFFFFFE0, v5  }
0x25: {  	v4 =	vor.u32 v4, v5  }
0x26: {  	v5 =	vperm.xlane v4, v0;
	_ =	sdelay $0x1  }
0x27: {  	v5 =	vadd.s32 v1, v5;
	_ =	sdelay $0x1  }
0x28: {  	v4 =	vperm.xlane v4, v2;
	_ =	sdelay $0x1  }
0x29: {  	s1 =	simm.s32 $0x0;
	v4 =	vadd.s32 v1, v4  }
0x2a: {  	[tilespmem:s20], [sflag:$0x2] =	stream.indirect_vreg.gather [hbm4b:s3+s1], $0x80, v5, vm0, $0xb8;
	[tilespmem:$0x1F700] =	vst v63  }
0x2b: {  	_ = 	snop  }
0x2c: {  	[tilespmem:s21], [sflag:$0x2] =	stream.indirect_vreg.gather [hbm4b:s12+s1], $0x80, v5, vm0, $0xb8;
	[tilespmem:$0x1F700] =	vst v63  }
0x2d: {  	_ = 	snop  }
0x2e: {  	[tilespmem:s22], [sflag:$0x2] =	stream.indirect_vreg.gather [hbm4b:s3+s1], $0x80, v4, vm0, $0xb8;
	[tilespmem:$0x1F700] =	vst v63  }
0x2f: {  	_ = 	snop  }
0x30: {  	[tilespmem:s23], [sflag:$0x2] =	stream.indirect_vreg.gather [hbm4b:s12+s1], $0x80, v4, vm0, $0xb8;
	[tilespmem:$0x1F700] =	vst v63  }
0x31: {  	s10 =	sshll.u32 s10, $0x11;
	_ =	swait.ge [sflag:s24], $0x18700  }
0x32: {  	s16 =	simm.s32 $0x870;
	s15 =	sor.u32 s11, s10;
	[sflag:s24] =	ssyncset.done $0x0  }
0x33: {  	s10 =	simm.s32 $0x70;
	s13 =	sadd.s32 s9, s13;
	[sflag:s24] =	ssyncadd.s32 $0xFFFE7900  }
.LBB2_3:
0x34: {  	s29 =	sor.u32 s4, s1  }
0x35: {  	v4 =	vmov s10;
	p1 =	seq.s32 s29, $0x0  }
0x36: {  	s29 =	simm.s32 @!p1 $0x4  }
0x37: {  	_ =	swait.ge @!p1 [sflag:s29], $0x800  }
0x38: {  	[sflag:s29] =	ssyncset.done @!p1 $0x0  }
0x39: {  	[sflag:s29] =	ssyncadd.s32 @!p1 $0xFFFFF800;
	s29 =	simm.s32 $0x0  }
0x3a: {  	s30 =	simm.s32 $0x200;
	v5 =	vld.idx.msk [tilespmem:v4+s29+$0xFFFFFF90 ss:$0x1], $0xffff  }
.LBB2_4:
0x3b: {  	p2 =	sne.s32 s30, $0x1E00;
	v6 =	vld.idx.msk [tilespmem:v4+s29+$0x0 ss:$0x1], $0xffff  }
0x3c: {  	v7 =	vld.idx.msk [tilespmem:v4+s29+$0xFFFFFFA0 ss:$0x1], $0xffff  }
0x3d: {  	v8 =	vld.idx.msk [tilespmem:v4+s29+$0xFFFFFFB0 ss:$0x1], $0xffff  }
0x3e: {  	v9 =	vld.idx.msk [tilespmem:v4+s29+$0xFFFFFFC0 ss:$0x1], $0xffff  }
0x3f: {  	v10 =	vld.idx.msk [tilespmem:v4+s29+$0xFFFFFFD0 ss:$0x1], $0xffff  }
0x40: {  	v11 =	vld.idx.msk [tilespmem:v4+s29+$0xFFFFFFE0 ss:$0x1], $0xffff  }
0x41: {  	v12 =	vld.idx.msk [tilespmem:v4+s29+$0xFFFFFFF0 ss:$0x1], $0xffff  }
0x42: {  	v5 =	vld.idx.msk [tilespmem:v5+s19+$0x0], $0xffff  }
0x43: {  	v6 =	vld.idx.msk [tilespmem:v6+s19+$0x0], $0xffff  }
0x44: {  	v7 =	vld.idx.msk [tilespmem:v7+s19+$0x0], $0xffff  }
0x45: {  	v8 =	vld.idx.msk [tilespmem:v8+s19+$0x0], $0xffff  }
0x46: {  	v9 =	vld.idx.msk [tilespmem:v9+s19+$0x0], $0xffff  }
0x47: {  	v10 =	vld.idx.msk [tilespmem:v10+s19+$0x0], $0xffff  }
0x48: {  	v11 =	vld.idx.msk [tilespmem:v11+s19+$0x0], $0xffff  }
0x49: {  	v12 =	vld.idx.msk [tilespmem:v12+s19+$0x0], $0xffff;
	[tilespmem:s29+$0x1C770] =	vst v6  }
0x4a: {  	[tilespmem:s29+$0x1C700] =	vst v5  }
0x4b: {  	[tilespmem:s29+$0x1C710] =	vst v7  }
0x4c: {  	[tilespmem:s29+$0x1C720] =	vst v8  }
.Ltmp0:
0x4d: {  	[tilespmem:s29+$0x1C730] =	vst v9;
	(pc) =	sbr.rel @p2 .LBB2_4-.Ltmp0, $4  }
0x4e: {  	[tilespmem:s29+$0x1C740] =	vst v10  }
0x4f: {  	[tilespmem:s29+$0x1C750] =	vst v11  }
0x50: {  	[tilespmem:s29+$0x1C760] =	vst v12;
	s29 =	sshra.s32 s30, $0x2  }
0x51: {  	s30 =	sadd.s32 $0x200, s30;
	v5 =	vld.idx.msk [tilespmem:v4+s29+$0xFFFFFF90 ss:$0x1], $0xffff  }
0x52: {  	_ =	sdelay $0x3  }
0x53: {  	v6 =	vld.idx.msk [tilespmem:v4+s29+$0x0 ss:$0x1], $0xffff  }
0x54: {  	v7 =	vld.idx.msk [tilespmem:v4+s29+$0xFFFFFFA0 ss:$0x1], $0xffff  }
0x55: {  	v8 =	vld.idx.msk [tilespmem:v4+s29+$0xFFFFFFB0 ss:$0x1], $0xffff  }
0x56: {  	v9 =	vld.idx.msk [tilespmem:v4+s29+$0xFFFFFFC0 ss:$0x1], $0xffff  }
0x57: {  	v10 =	vld.idx.msk [tilespmem:v4+s29+$0xFFFFFFD0 ss:$0x1], $0xffff  }
0x58: {  	v11 =	vld.idx.msk [tilespmem:v4+s29+$0xFFFFFFE0 ss:$0x1], $0xffff  }
0x59: {  	v4 =	vld.idx.msk [tilespmem:v4+s29+$0xFFFFFFF0 ss:$0x1], $0xffff  }
0x5a: {  	v5 =	vld.idx.msk [tilespmem:v5+s19+$0x0], $0xffff  }
0x5b: {  	v6 =	vld.idx.msk [tilespmem:v6+s19+$0x0], $0xffff  }
0x5c: {  	v7 =	vld.idx.msk [tilespmem:v7+s19+$0x0], $0xffff  }
0x5d: {  	v8 =	vld.idx.msk [tilespmem:v8+s19+$0x0], $0xffff  }
0x5e: {  	v9 =	vld.idx.msk [tilespmem:v9+s19+$0x0], $0xffff  }
0x5f: {  	v10 =	vld.idx.msk [tilespmem:v10+s19+$0x0], $0xffff  }
0x60: {  	v11 =	vld.idx.msk [tilespmem:v11+s19+$0x0], $0xffff  }
0x61: {  	v4 =	vld.idx.msk [tilespmem:v4+s19+$0x0], $0xffff;
	[tilespmem:s29+$0x1C700] =	vst v5  }
0x62: {  	[tilespmem:s29+$0x1C770] =	vst v6  }
0x63: {  	[tilespmem:s29+$0x1C710] =	vst v7  }
0x64: {  	[tilespmem:s29+$0x1C720] =	vst v8  }
0x65: {  	s30 =	sshll.u32 s1, $0xF;
	[tilespmem:s29+$0x1C730] =	vst v9  }
0x66: {  	s30 =	sadd.s32 s15, s30;
	[tilespmem:s29+$0x1C740] =	vst v10  }
0x67: {  	s30 =	sshrl.u32 s30, $0x3;
	[tilespmem:s29+$0x1C750] =	vst v11  }
0x68: {  	[tilespmem:s29+$0x1C760] =	vst v4;
	s29 =	sadd.s32 s5, s30  }
0x69: {  	v4 =	vmov s16;
	[hbm4b:s29+s17] =	stream.strided.scatter [tilespmem:s25], [sflag:$0x4], $0x800, s18, s17, $0x38;
	[tilespmem:$0x1F700] =	vst v63  }
0x6a: {  	s29 =	simm.s32 @!p1 $0x5  }
0x6b: {  	_ =	swait.ge @!p1 [sflag:s29], $0x800  }
0x6c: {  	[sflag:s29] =	ssyncset.done @!p1 $0x0  }
0x6d: {  	[sflag:s29] =	ssyncadd.s32 @!p1 $0xFFFFF800;
	s29 =	simm.s32 $0x0  }
0x6e: {  	s31 =	simm.s32 $0x200;
	s30 =	sshllo.u32 s1, $0x1;
	v5 =	vld.idx.msk [tilespmem:v4+s29+$0xFFFFFF90 ss:$0x1], $0xffff  }
.LBB2_6:
0x6f: {  	p1 =	sne.s32 s31, $0x1E00;
	v6 =	vld.idx.msk [tilespmem:v4+s29+$0x0 ss:$0x1], $0xffff  }
0x70: {  	v7 =	vld.idx.msk [tilespmem:v4+s29+$0xFFFFFFA0 ss:$0x1], $0xffff  }
0x71: {  	v8 =	vld.idx.msk [tilespmem:v4+s29+$0xFFFFFFB0 ss:$0x1], $0xffff  }
0x72: {  	v9 =	vld.idx.msk [tilespmem:v4+s29+$0xFFFFFFC0 ss:$0x1], $0xffff  }
0x73: {  	v10 =	vld.idx.msk [tilespmem:v4+s29+$0xFFFFFFD0 ss:$0x1], $0xffff  }
0x74: {  	v11 =	vld.idx.msk [tilespmem:v4+s29+$0xFFFFFFE0 ss:$0x1], $0xffff  }
0x75: {  	v12 =	vld.idx.msk [tilespmem:v4+s29+$0xFFFFFFF0 ss:$0x1], $0xffff  }
0x76: {  	v5 =	vld.idx.msk [tilespmem:v5+s19+$0x0], $0xffff  }
0x77: {  	v6 =	vld.idx.msk [tilespmem:v6+s19+$0x0], $0xffff  }
0x78: {  	v7 =	vld.idx.msk [tilespmem:v7+s19+$0x0], $0xffff  }
0x79: {  	v8 =	vld.idx.msk [tilespmem:v8+s19+$0x0], $0xffff  }
0x7a: {  	v9 =	vld.idx.msk [tilespmem:v9+s19+$0x0], $0xffff  }
0x7b: {  	v10 =	vld.idx.msk [tilespmem:v10+s19+$0x0], $0xffff  }
0x7c: {  	v11 =	vld.idx.msk [tilespmem:v11+s19+$0x0], $0xffff  }
0x7d: {  	v12 =	vld.idx.msk [tilespmem:v12+s19+$0x0], $0xffff;
	[tilespmem:s29+$0x1CF70] =	vst v6  }
0x7e: {  	[tilespmem:s29+$0x1CF00] =	vst v5  }
0x7f: {  	[tilespmem:s29+$0x1CF10] =	vst v7  }
0x80: {  	[tilespmem:s29+$0x1CF20] =	vst v8  }
.Ltmp1:
0x81: {  	[tilespmem:s29+$0x1CF30] =	vst v9;
	(pc) =	sbr.rel @p1 .LBB2_6-.Ltmp1, $4  }
0x82: {  	[tilespmem:s29+$0x1CF40] =	vst v10  }
0x83: {  	[tilespmem:s29+$0x1CF50] =	vst v11  }
0x84: {  	[tilespmem:s29+$0x1CF60] =	vst v12;
	s29 =	sshra.s32 s31, $0x2  }
0x85: {  	s31 =	sadd.s32 $0x200, s31;
	v5 =	vld.idx.msk [tilespmem:v4+s29+$0xFFFFFF90 ss:$0x1], $0xffff  }
0x86: {  	_ =	sdelay $0x3  }
0x87: {  	v6 =	vld.idx.msk [tilespmem:v4+s29+$0x0 ss:$0x1], $0xffff  }
0x88: {  	v7 =	vld.idx.msk [tilespmem:v4+s29+$0xFFFFFFA0 ss:$0x1], $0xffff  }
0x89: {  	v8 =	vld.idx.msk [tilespmem:v4+s29+$0xFFFFFFB0 ss:$0x1], $0xffff  }
0x8a: {  	v9 =	vld.idx.msk [tilespmem:v4+s29+$0xFFFFFFC0 ss:$0x1], $0xffff  }
0x8b: {  	v10 =	vld.idx.msk [tilespmem:v4+s29+$0xFFFFFFD0 ss:$0x1], $0xffff  }
0x8c: {  	v11 =	vld.idx.msk [tilespmem:v4+s29+$0xFFFFFFE0 ss:$0x1], $0xffff  }
0x8d: {  	v4 =	vld.idx.msk [tilespmem:v4+s29+$0xFFFFFFF0 ss:$0x1], $0xffff  }
0x8e: {  	v5 =	vld.idx.msk [tilespmem:v5+s19+$0x0], $0xffff  }
0x8f: {  	v6 =	vld.idx.msk [tilespmem:v6+s19+$0x0], $0xffff  }
0x90: {  	v7 =	vld.idx.msk [tilespmem:v7+s19+$0x0], $0xffff  }
0x91: {  	v8 =	vld.idx.msk [tilespmem:v8+s19+$0x0], $0xffff  }
0x92: {  	v9 =	vld.idx.msk [tilespmem:v9+s19+$0x0], $0xffff  }
0x93: {  	v10 =	vld.idx.msk [tilespmem:v10+s19+$0x0], $0xffff  }
0x94: {  	v11 =	vld.idx.msk [tilespmem:v11+s19+$0x0], $0xffff  }
0x95: {  	v4 =	vld.idx.msk [tilespmem:v4+s19+$0x0], $0xffff;
	[tilespmem:s29+$0x1CF00] =	vst v5  }
0x96: {  	[tilespmem:s29+$0x1CF70] =	vst v6  }
0x97: {  	s1 =	sadd.s32 $0x1, s1;
	[tilespmem:s29+$0x1CF10] =	vst v7  }
0x98: {  	p1 =	sne.s32 s1, $0x4;
	[tilespmem:s29+$0x1CF20] =	vst v8  }
.Ltmp2:
0x99: {  	s30 =	sshll.u32 s30, $0xE;
	[tilespmem:s29+$0x1CF30] =	vst v9;
	(pc) =	sbr.rel @p1 .LBB2_3-.Ltmp2, $4  }
0x9a: {  	s30 =	sadd.s32 s15, s30;
	[tilespmem:s29+$0x1CF40] =	vst v10  }
0x9b: {  	s30 =	sshrl.u32 s30, $0x3;
	[tilespmem:s29+$0x1CF50] =	vst v11  }
0x9c: {  	s10 =	sadd.s32 $0x1000, s10;
	s16 =	sadd.s32 $0x1000, s16;
	s31 =	sadd.s32 s5, s30;
	[tilespmem:s29+$0x1CF60] =	vst v4  }
0x9d: {  	[hbm4b:s31+s17] =	stream.strided.scatter [tilespmem:s26], [sflag:$0x5], $0x800, s18, s17, $0x38;
	[tilespmem:$0x1F700] =	vst v63  }
0x9e: {  	p1 =	seq.s32 s4, s14  }
.Ltmp3:
0x9f: {  	_ = 	snop;
	(pc) =	sbr.rel @!p1 .LBB2_2-.Ltmp3, $4  }
0xa0: {  	_ =	swait.ge [sflag:s28], $0x2000  }
0xa1: {  	s1 =	sshll.u32 s13, $0x6;
	s31 =	sadd.s32 $0x1, s4;
	[sflag:s28] =	ssyncset.done $0x0  }
0xa2: {  	s1 =	sadd.s32 s6, s1;
	s4 =	smov.u32 s31;
	[sflag:s28] =	ssyncadd.s32 $0xFFFFE000  }
0xa3: {  	[hbm4b:s1+s7] =	stream.linear.scatter [tilespmem:s20], [sflag:$0x3], $0x2000, $0x38;
	[tilespmem:$0x1F700] =	vst v63  }
0xa4: {  	s1 =	simm.s32 @!p0 $0x3  }
0xa5: {  	_ =	swait.ge @!p0 [sflag:s1], $0x2000  }
0xa6: {  	[sflag:s1] =	ssyncset.done @!p0 $0x0  }
0xa7: {  	[sflag:s1] =	ssyncadd.s32 @!p0 $0xFFFFE000;
	s1 =	rddreg [dreg:$0x6]  }
0xa8: {  	v4 =	vld @!p0 [tilespmem:s1+$0x0];
	_ =	sdelay $0x4  }
0xa9: {  	v5 =	vshll.u32 @!p0 v4, $0x2  }
0xaa: {  	v6 =	vlaneseq.u32 @!p0;
	v4 =	vand.u32 @!p0 $0x7, v4;
	v5 =	vand.u32 @!p0 $0xFFFFFFE0, v5  }
0xab: {  	v7 =	vshrl.u32 @!p0 v6, $0x3;
	v4 =	vor.u32 @!p0 v4, v5;
	v5 =	vand.u32 @!p0 $0x7, v6  }
0xac: {  	v7 =	vmul.u32 @!p0 $0x8, v7;
	v5 =	vperm.xlane @!p0 v4, v5;
	_ =	sdelay $0x1  }
0xad: {  	v5 =	vadd.s32 @!p0 v7, v5  }
0xae: {  	v6 =	vor.u32 @!p0 $0x8, v6  }
0xaf: {  	v4 =	vperm.xlane @!p0 v4, v6;
	_ =	sdelay $0x1  }
0xb0: {  	s4 =	simm.s32 @!p0 $0x1D700;
	s1 =	simm.s32 @!p0 $0x0;
	v4 =	vadd.s32 @!p0 v7, v4  }
0xb1: {  	[tilespmem:s4], [sflag:$0x2] =	stream.indirect_vreg.gather @!p0 [hbm4b:s3+s1], $0x80, v5, vm1, $0xb8;
	[tilespmem:$0x1F700] =	vst v63  }
0xb2: {  	s10 =	simm.s32 @!p0 $0x1DF00  }
0xb3: {  	[tilespmem:s10], [sflag:$0x2] =	stream.indirect_vreg.gather @!p0 [hbm4b:s12+s1], $0x80, v5, vm1, $0xb8;
	[tilespmem:$0x1F700] =	vst v63  }
0xb4: {  	s10 =	simm.s32 @!p0 $0x1E700  }
0xb5: {  	[tilespmem:s10], [sflag:$0x2] =	stream.indirect_vreg.gather @!p0 [hbm4b:s3+s1], $0x80, v4, vm1, $0xb8;
	[tilespmem:$0x1F700] =	vst v63  }
0xb6: {  	s10 =	simm.s32 @!p0 $0x1EF00  }
0xb7: {  	[tilespmem:s10], [sflag:$0x2] =	stream.indirect_vreg.gather @!p0 [hbm4b:s12+s1], $0x80, v4, vm1, $0xb8;
	[tilespmem:$0x1F700] =	vst v63  }
0xb8: {  	s10 =	simm.s32 @!p0 $0x2  }
0xb9: {  	_ =	swait.ge @!p0 [sflag:s10], $0x2000  }
0xba: {  	[sflag:s10] =	ssyncset.done @!p0 $0x0  }
0xbb: {  	s16 =	simm.s32 $0x3;
	[sflag:s10] =	ssyncadd.s32 @!p0 $0xFFFFE000;
	s10 =	rddreg [dreg:$0x7]  }
0xbc: {  	[hbm4b:s10+s1] =	stream.linear.scatter @!p0 [tilespmem:s4], [sflag:$0x3], $0x2000, $0x38;
	[tilespmem:$0x1F700] =	vst v63  }
0xbd: {  	_ =	swait.ge [sflag:s16], $0x2000  }
0xbe: {  	[sflag:s16] =	ssyncset.done $0x0  }
0xbf: {  	s29 =	simm.s32 $0x4;
	[sflag:s16] =	ssyncadd.s32 $0xFFFFE000  }
0xc0: {  	_ =	swait.ge [sflag:s29], $0x800  }
0xc1: {  	[sflag:s29] =	ssyncset.done $0x0  }
0xc2: {  	s30 =	simm.s32 $0x5;
	[sflag:s29] =	ssyncadd.s32 $0xFFFFF800  }
0xc3: {  	_ =	swait.ge [sflag:s30], $0x800  }
0xc4: {  	s0 =	sadd.s32 $0x1, s0;
	s31 =	rddreg [dreg:$0x8]  }
0xc5: {  	p1 =	sne.s32 s0, s31  }
.Ltmp4:
0xc6: {  	_ = 	snop;
	(pc) =	sbr.rel @p1 .LBB2_1-.Ltmp4, $3  }
0xc7: {  	_ =	sdelay $0x1  }
0xc8: {  	[sflag:s30] =	ssyncset.done $0x0  }
0xc9: {  	[sflag:s30] =	ssyncadd.s32 $0xFFFFF800  }
0xca: {  	_ =	sfence.sel $0x180000  }
0xcb: {  	[bflag:$0x0] =	sbarrier.arrive $0xFFFF  }
0xcc: {  	_ =	strace $0x90000047  }
0xcd: {  	s0 =	stileid.u32;
	[bflag:$0x2] =	sbarrier.arrive $0xFFFF  }
0xce: {  	p0 =	sne.s32 s0, $0x0;
	s0 =	rddreg [dreg:$0x5]  }
0xcf: {  	s0 =	sadd.s32 @!p0 $0x100000, s0  }
0xd0: {  	[sflag:s0] =	ssyncadd.tile.s32 @!p0 $0x1;
	_ =	shalt  }
.Lfunc_end2:
_tile_overlayer_lowered:
.L_overlay_start_2:
0xd1: {  	(tag) =	ssettag $0x2  }
0xd2: {  	s0 =	rddreg [dreg:$0x0];
	s2 =	stileid.u32  }
0xd3: {  	s1 =	rddreg [dreg:$0x1];
	p0 =	sne.s32 s2, $0x0  }
0xd4: {  	s3 =	rddreg [dreg:$0x2];
	[bflag:$0x3] =	sbarrier.arrive $0xFFFF;
	s2 =	simm.s32 @!p0 $0x1C06  }
0xd5: {  	[timem:s3], [sflag:s2] =	dma.local @!p0 [hbm:s0], s1  }
0xd6: {  	s0 =	simm.s32 @!p0 $0x6  }
0xd7: {  	_ =	swait.ge @!p0 [sflag:s0], s1  }
0xd8: {  	s1 =	ssub.s32 @!p0 $0x0, s1;
	[sflag:s0] =	ssyncset.done @!p0 $0x0  }
0xd9: {  	[sflag:s0] =	ssyncadd.s32 @!p0 s1  }
0xda: {  	[bflag:$0x3] =	sbarrier.arrive $0xFFFF  }
0xdb: {  	_ =	shalt  }

</sc_bundles>
